<compile_context>
chip_gen: v7x
topology: tpu7x:2x2x1
jax: 0.10.2.dev20260603
libtpu: 0.0.44.dev20260713+nightly
codegen_flags: <defaults>
</compile_context>

<pallas_src>
import functools

import jax
import jax.numpy as jnp
from jax import lax
from jax.experimental import pallas as pl
from jax.experimental.pallas import tpu as pltpu
from jax.experimental.pallas import tpu_sc as plsc

_LANES = 16


@functools.cache
def _build_tw(V, D):
    BLK = 131072
    grid = (V + BLK - 1) // BLK

    def tw_body(w_ref, tt_ref, out_ref):
        out_ref[...] = jnp.sum(tt_ref[...] * w_ref[...].reshape(D, 1), axis=0)

    return pl.pallas_call(
        tw_body,
        grid=(grid,),
        in_specs=[
            pl.BlockSpec((1, D), lambda i: (0, 0)),
            pl.BlockSpec((D, BLK), lambda i: (0, i)),
        ],
        out_specs=pl.BlockSpec((BLK,), lambda i: (i,)),
        out_shape=jax.ShapeDtypeStruct((V,), jnp.float32),
    )


@functools.cache
def _build_pool(B, V, L):
    NW = 32
    S = B // NW
    HALF = L // 2
    NHF = HALF // _LANES
    REM = HALF - NHF * _LANES
    STG = 62496

    mesh = plsc.VectorSubcoreMesh(core_axis_name="c", subcore_axis_name="s")

    @functools.partial(
        pl.kernel,
        mesh=mesh,
        compiler_params=pltpu.CompilerParams(
            needs_layout_passes=False, use_tc_tiling_on_sc=False),
        out_type=jax.ShapeDtypeStruct((B,), jnp.float32),
        scratch_types=[
            pltpu.VMEM_SHARED((V,), jnp.float32),
            pltpu.VMEM((S, 2, HALF), jnp.int32),
            pltpu.VMEM((2, 2, HALF), jnp.float32),
            pltpu.VMEM((S,), jnp.float32),
            pltpu.VMEM((_LANES,), jnp.float32),
            pltpu.VMEM((_LANES,), jnp.float32),
            pltpu.SemaphoreType.DMA,
            pltpu.SemaphoreType.DMA,
            pltpu.SemaphoreType.DMA,
        ],
    )
    def pooled(src_hbm, tw_hbm, bv_hbm, out_hbm,
               tw_sh, idx_v, vals_v, out_v, tw0_v, bv_v,
               gsem0, gsem1, isem):
        cid = lax.axis_index("c")
        sid = lax.axis_index("s")
        wid = sid * 2 + cid
        base = wid * S
        gsems = (gsem0, gsem1)

        icp = pltpu.make_async_copy(src_hbm.at[pl.ds(base, S)], idx_v, isem)
        icp.start()
        pltpu.sync_copy(bv_hbm, bv_v)

        off = sid * STG
        pltpu.sync_copy(tw_hbm.at[pl.ds(off, STG)], tw_sh.at[pl.ds(off, STG)])

        @pl.when(sid == 0)
        def _():
            tail = STG * _LANES
            pltpu.sync_copy(tw_hbm.at[pl.ds(tail, V - STG * _LANES)],
                            tw_sh.at[pl.ds(tail, V - STG * _LANES)])

        plsc.subcore_barrier()

        lanes = lax.iota(jnp.int32, _LANES)
        lane0 = lanes == 0
        zero = jnp.zeros((_LANES,), jnp.float32)
        one = jnp.ones((_LANES,), jnp.float32)

        def allsum(x):
            for sft in (8, 4, 2, 1):
                x = x + jnp.take_along_axis(x, lanes ^ sft, axis=0)
            return x

        pltpu.sync_copy(tw_sh.at[pl.ds(0, _LANES)], tw0_v)
        tw0 = tw0_v[...][0]
        bs = bv_v[...][0]
        l_f = jnp.float32(L)

        icp.wait()

        def g_copy(s, buf, h):
            return pltpu.make_async_copy(
                tw_sh.at[idx_v.at[s, h]],
                vals_v.at[buf, h],
                gsems[buf],
            )

        def g_fire(s, buf):
            for h in range(2):
                g_copy(s, buf, h).start()

        def g_wait(s, buf):
            for h in range(2):
                g_copy(s, buf, h).wait()

        def process(s, buf):
            vsum = zero
            macc = zero
            for h in range(2):
                for k in range(NHF):
                    vsum = vsum + vals_v[buf, h, pl.ds(k * _LANES, _LANES)]
                    chunk = idx_v[s, h, pl.ds(k * _LANES, _LANES)]
                    macc = macc + jnp.where(chunk != 0, one, zero)
                if REM:
                    tailm = lanes >= _LANES - REM
                    tail = vals_v[buf, h, pl.ds(HALF - _LANES, _LANES)]
                    vsum = vsum + jnp.where(tailm, tail, zero)
                    chunk = idx_v[s, h, pl.ds(HALF - _LANES, _LANES)]
                    new = jnp.logical_and(chunk != 0, tailm)
                    macc = macc + jnp.where(new, one, zero)
            len_v = allsum(macc)
            tot = allsum(vsum)
            logit_v = (tot - (l_f - len_v) * tw0) / len_v + bs
            plsc.store_scatter(
                out_v,
                [jnp.broadcast_to(s, (_LANES,)).astype(jnp.int32)],
                logit_v,
                mask=lane0,
            )

        g_fire(0, 0)

        def seq_body(g, carry):
            s0 = 2 * g
            s1 = s0 + 1
            g_fire(s1, 1)
            g_wait(s0, 0)
            process(s0, 0)
            nxt = lax.rem(s0 + 2, S)
            g_fire(nxt, 0)
            g_wait(s1, 1)
            process(s1, 1)
            return carry

        lax.fori_loop(0, S // 2, seq_body, 0)
        g_wait(0, 0)

        for g in range(S // _LANES):
            v = out_v[pl.ds(g * _LANES, _LANES)]
            out_v[pl.ds(g * _LANES, _LANES)] = 1.0 / (1.0 + jnp.exp(-v))

        pltpu.sync_copy(out_v, out_hbm.at[pl.ds(base, S)])

    return pooled


def kernel(src, table, W, b):
    B, L = src.shape
    V, D = table.shape
    src_p = src.reshape(B, 2, L // 2)
    tw = _build_tw(V, D)(W.astype(jnp.float32), table.T)
    bv = jnp.concatenate([
        b.reshape(-1).astype(jnp.float32),
        jnp.zeros((_LANES - 1,), jnp.float32),
    ])
    out = _build_pool(B, V, L)(src_p, tw, bv)
    return out.reshape(B, 1)

# --- scband reference (transcript-rebuilt; emitter-appended) ---
"""Pipeline reference for scband-embedding-model-38156489457838 (READ-ONLY COPY).

The authoritative reference and input builder live on the scoring server;
editing this copy changes nothing except your own understanding.
"""

import jax, jax.numpy as jnp
import numpy as np

VOCAB = 1000000
DIM = 16
PAD_ID = 0
B = 4096
L = 200


def setup_inputs(seed: int = 0) -> dict:
    key = jax.random.key(seed)
    k1, k2, k3 = jax.random.split(key, 3)
    src = jax.random.randint(k1, (B, L), 0, VOCAB, dtype=jnp.int32)
    table = jax.random.normal(k2, (VOCAB, DIM), dtype=jnp.float32) * 0.02
    W = jax.random.normal(k3, (1, DIM), dtype=jnp.float32) * 0.1
    b = jnp.zeros((1,), dtype=jnp.float32)
    return {"src": src, "table": table, "W": W, "b": b}


def reference(src, table, W, b):
    # emulate nn.Embedding padding_idx: pad row is zero
    t = table.at[PAD_ID].set(0.0)
    emb = jnp.take(t, src, axis=0)          # [B, L, D] gather
    emb = jnp.sum(emb, axis=1)               # [B, D]
    lengths = jnp.sum(src != PAD_ID, axis=1).astype(jnp.float32)[:, None]  # [B, 1]
    emb = emb / lengths                       # mean over non-pad tokens
    logits = emb @ W.T + b                    # [B, 1]
    return jax.nn.sigmoid(logits)

if __name__ == "__main__":
    import jax
    _d = setup_inputs()
    print(jax.jit(kernel)(*tuple(_d.values())))

</pallas_src>

<mosaic_0001>
#map = affine_map<(d0, d1) -> (0, 0, 0)>
#map1 = affine_map<(d0, d1) -> (0)>
module attributes {stable_mosaic.version = 14 : i64} {
  func.func @pooled(%arg0: i32, %arg1: i32, %arg2: memref<4096x2x100xi32, #tpu.memory_space<hbm>>, %arg3: memref<1000000xf32, #tpu.memory_space<hbm>>, %arg4: memref<16xf32, #tpu.memory_space<hbm>>, %arg5: memref<4096xf32, #tpu.memory_space<hbm>>, %arg6: memref<1000000xf32, #tpu.memory_space<vmem_shared>>, %arg7: memref<128x2x100xi32, #tpu.memory_space<vmem>>, %arg8: memref<2x2x100xf32, #tpu.memory_space<vmem>>, %arg9: memref<128xf32, #tpu.memory_space<vmem>>, %arg10: memref<16xf32, #tpu.memory_space<vmem>>, %arg11: memref<16xf32, #tpu.memory_space<vmem>>, %arg12: memref<!tpu.dma_semaphore, #tpu.memory_space<semaphore_mem>>, %arg13: memref<!tpu.dma_semaphore, #tpu.memory_space<semaphore_mem>>, %arg14: memref<!tpu.dma_semaphore, #tpu.memory_space<semaphore_mem>>) attributes {dimension_semantics = [#tpu.dimension_semantics<core_parallel>, #tpu.dimension_semantics<subcore_parallel>], iteration_bounds = array<i64: 2, 16>, scalar_prefetch = 0 : i64, scratch_operands = 9 : i64, tpu.core_type = #tpu.core_type<sc_vector_subcore>, window_params = [{transform_indices = #map}, {transform_indices = #map1}, {transform_indices = #map1}, {transform_indices = #map1}]} {
    %mul3A = arith.constant 2 : i32
    %mul3A_0 = arith.muli %arg1, %mul3A : i32
    %add3A = arith.addi %mul3A_0, %arg0 : i32
    %mul3A_1 = arith.constant 128 : i32
    %mul3A_2 = arith.muli %add3A, %mul3A_1 : i32
    %dma_start3A = arith.constant 0 : i32
    %dma_start3A_3 = arith.constant 0 : i32
    %dma_start3A_4 = tpu.memref_slice %arg2[%mul3A_2, %dma_start3A, %dma_start3A_3] : memref<4096x2x100xi32, #tpu.memory_space<hbm>> -> memref<128x2x100xi32, #tpu.memory_space<hbm>>
    %dma_start3A_5 = arith.constant 0 : i32
    %dma_start3A_6 = arith.constant 0 : i32
    %dma_start3A_7 = tpu.memref_slice %arg2[%mul3A_2, %dma_start3A_5, %dma_start3A_6] : memref<4096x2x100xi32, #tpu.memory_space<hbm>> -> memref<128x2x100xi32, #tpu.memory_space<hbm>>
    tpu.enqueue_dma source(%dma_start3A_7 : memref<128x2x100xi32, #tpu.memory_space<hbm>>) target(%arg7 : memref<128x2x100xi32, #tpu.memory_space<vmem>>) target_semaphore(%arg14 : memref<!tpu.dma_semaphore, #tpu.memory_space<semaphore_mem>>)
    "tpu.region"() ({
      %run_scoped3A = tpu.sem_alloc : memref<!tpu.dma_semaphore, #tpu.memory_space<semaphore_mem>>
      tpu.enqueue_dma source(%arg4 : memref<16xf32, #tpu.memory_space<hbm>>) target(%arg11 : memref<16xf32, #tpu.memory_space<vmem>>) target_semaphore(%run_scoped3A : memref<!tpu.dma_semaphore, #tpu.memory_space<semaphore_mem>>)
      tpu.wait_dma2 semaphore(%run_scoped3A : memref<!tpu.dma_semaphore, #tpu.memory_space<semaphore_mem>>) src(%arg4 : memref<16xf32, #tpu.memory_space<hbm>>) dst(%arg11 : memref<16xf32, #tpu.memory_space<vmem>>)
      tpu.yield
    }) : () -> ()
    %mul3A_8 = arith.constant 62496 : i32
    %mul3A_9 = arith.muli %arg1, %mul3A_8 : i32
    "tpu.region"() ({
      %run_scoped3A = tpu.sem_alloc : memref<!tpu.dma_semaphore, #tpu.memory_space<semaphore_mem>>
      %dma_start3A_190 = tpu.memref_slice %arg6[%mul3A_9] : memref<1000000xf32, #tpu.memory_space<vmem_shared>> -> memref<62496xf32, #tpu.memory_space<vmem_shared>>
      %dma_start3A_191 = tpu.memref_slice %arg3[%mul3A_9] : memref<1000000xf32, #tpu.memory_space<hbm>> -> memref<62496xf32, #tpu.memory_space<hbm>>
      tpu.enqueue_dma source(%dma_start3A_191 : memref<62496xf32, #tpu.memory_space<hbm>>) target(%dma_start3A_190 : memref<62496xf32, #tpu.memory_space<vmem_shared>>) target_semaphore(%run_scoped3A : memref<!tpu.dma_semaphore, #tpu.memory_space<semaphore_mem>>)
      %dma_wait3A_192 = tpu.memref_slice %arg6[%mul3A_9] : memref<1000000xf32, #tpu.memory_space<vmem_shared>> -> memref<62496xf32, #tpu.memory_space<vmem_shared>>
      %dma_wait3A_193 = tpu.memref_slice %arg3[%mul3A_9] : memref<1000000xf32, #tpu.memory_space<hbm>> -> memref<62496xf32, #tpu.memory_space<hbm>>
      tpu.wait_dma2 semaphore(%run_scoped3A : memref<!tpu.dma_semaphore, #tpu.memory_space<semaphore_mem>>) src(%dma_wait3A_193 : memref<62496xf32, #tpu.memory_space<hbm>>) dst(%dma_wait3A_192 : memref<62496xf32, #tpu.memory_space<vmem_shared>>)
      tpu.yield
    }) : () -> ()
    %eq3A = arith.constant 0 : i32
    %eq3A_10 = arith.cmpi eq, %arg1, %eq3A : i32
    %convert_element_type3A = arith.extui %eq3A_10 : i1 to i32
    %cond3A = arith.constant 0 : i32
    %cond3A_11 = arith.cmpi ne, %convert_element_type3A, %cond3A : i32
    scf.if %cond3A_11 {
      "tpu.region"() ({
        %run_scoped3A = tpu.sem_alloc : memref<!tpu.dma_semaphore, #tpu.memory_space<semaphore_mem>>
        %dma_start3A_190 = arith.constant 999936 : i32
        %dma_start3A_191 = tpu.memref_slice %arg6[%dma_start3A_190] : memref<1000000xf32, #tpu.memory_space<vmem_shared>> -> memref<64xf32, #tpu.memory_space<vmem_shared>>
        %dma_start3A_192 = arith.constant 999936 : i32
        %dma_start3A_193 = tpu.memref_slice %arg3[%dma_start3A_192] : memref<1000000xf32, #tpu.memory_space<hbm>> -> memref<64xf32, #tpu.memory_space<hbm>>
        tpu.enqueue_dma source(%dma_start3A_193 : memref<64xf32, #tpu.memory_space<hbm>>) target(%dma_start3A_191 : memref<64xf32, #tpu.memory_space<vmem_shared>>) target_semaphore(%run_scoped3A : memref<!tpu.dma_semaphore, #tpu.memory_space<semaphore_mem>>)
        %dma_wait3A_194 = arith.constant 999936 : i32
        %dma_wait3A_195 = tpu.memref_slice %arg6[%dma_wait3A_194] : memref<1000000xf32, #tpu.memory_space<vmem_shared>> -> memref<64xf32, #tpu.memory_space<vmem_shared>>
        %dma_wait3A_196 = arith.constant 999936 : i32
        %dma_wait3A_197 = tpu.memref_slice %arg3[%dma_wait3A_196] : memref<1000000xf32, #tpu.memory_space<hbm>> -> memref<64xf32, #tpu.memory_space<hbm>>
        tpu.wait_dma2 semaphore(%run_scoped3A : memref<!tpu.dma_semaphore, #tpu.memory_space<semaphore_mem>>) src(%dma_wait3A_197 : memref<64xf32, #tpu.memory_space<hbm>>) dst(%dma_wait3A_195 : memref<64xf32, #tpu.memory_space<vmem_shared>>)
        tpu.yield
      }) : () -> ()
    } else {
    }
    %barrier3A = arith.constant 0 : index
    tpu.barrier barrier_id(%barrier3A)
    %iota3A = tpu.iota {dimensions = array<i32: 0>} : vector<16xi32>
    %eq3A_12 = arith.constant 0 : i32
    %eq3A_13 = vector.broadcast %eq3A_12 : i32 to vector<16xi32>
    %eq3A_14 = arith.cmpi eq, %iota3A, %eq3A_13 : vector<16xi32>
    %broadcast_in_dim3A = arith.constant 0.000000e+00 : f32
    %broadcast_in_dim3A_15 = vector.broadcast %broadcast_in_dim3A : f32 to vector<16xf32>
    %broadcast_in_dim3A_16 = arith.constant 1.000000e+00 : f32
    %broadcast_in_dim3A_17 = vector.broadcast %broadcast_in_dim3A_16 : f32 to vector<16xf32>
    "tpu.region"() ({
      %run_scoped3A = tpu.sem_alloc : memref<!tpu.dma_semaphore, #tpu.memory_space<semaphore_mem>>
      %dma_start3A_190 = arith.constant 0 : i32
      %dma_start3A_191 = tpu.memref_slice %arg6[%dma_start3A_190] : memref<1000000xf32, #tpu.memory_space<vmem_shared>> -> memref<16xf32, #tpu.memory_space<vmem_shared>>
      %dma_start3A_192 = arith.constant 0 : i32
      %dma_start3A_193 = tpu.memref_slice %arg6[%dma_start3A_192] : memref<1000000xf32, #tpu.memory_space<vmem_shared>> -> memref<16xf32, #tpu.memory_space<vmem_shared>>
      tpu.enqueue_dma source(%dma_start3A_193 : memref<16xf32, #tpu.memory_space<vmem_shared>>) target(%arg10 : memref<16xf32, #tpu.memory_space<vmem>>) target_semaphore(%run_scoped3A : memref<!tpu.dma_semaphore, #tpu.memory_space<semaphore_mem>>)
      %dma_wait3A_194 = arith.constant 0 : i32
      %dma_wait3A_195 = tpu.memref_slice %arg6[%dma_wait3A_194] : memref<1000000xf32, #tpu.memory_space<vmem_shared>> -> memref<16xf32, #tpu.memory_space<vmem_shared>>
      %dma_wait3A_196 = arith.constant 0 : i32
      %dma_wait3A_197 = tpu.memref_slice %arg6[%dma_wait3A_196] : memref<1000000xf32, #tpu.memory_space<vmem_shared>> -> memref<16xf32, #tpu.memory_space<vmem_shared>>
      tpu.wait_dma2 semaphore(%run_scoped3A : memref<!tpu.dma_semaphore, #tpu.memory_space<semaphore_mem>>) src(%dma_wait3A_197 : memref<16xf32, #tpu.memory_space<vmem_shared>>) dst(%arg10 : memref<16xf32, #tpu.memory_space<vmem>>)
      tpu.yield
    }) : () -> ()
    %get3A = arith.constant 0 : index
    %get3A_18 = tpu.vector_load %arg10[%get3A] {strides = array<i32>} : memref<16xf32, #tpu.memory_space<vmem>>, vector<16xf32>,
    %slice3A = vector.extract_strided_slice %get3A_18 {offsets = [0], sizes = [1], strides = [1]} : vector<16xf32> to vector<1xf32>
    %squeeze3A = vector.extract %slice3A[0] : f32 from vector<1xf32>
    %get3A_19 = arith.constant 0 : index
    %get3A_20 = tpu.vector_load %arg11[%get3A_19] {strides = array<i32>} : memref<16xf32, #tpu.memory_space<vmem>>, vector<16xf32>,
    %slice3A_21 = vector.extract_strided_slice %get3A_20 {offsets = [0], sizes = [1], strides = [1]} : vector<16xf32> to vector<1xf32>
    %squeeze3A_22 = vector.extract %slice3A_21[0] : f32 from vector<1xf32>
    %dma_wait3A = arith.constant 0 : i32
    %dma_wait3A_23 = arith.constant 0 : i32
    %dma_wait3A_24 = tpu.memref_slice %arg2[%mul3A_2, %dma_wait3A, %dma_wait3A_23] : memref<4096x2x100xi32, #tpu.memory_space<hbm>> -> memref<128x2x100xi32, #tpu.memory_space<hbm>>
    %dma_wait3A_25 = arith.constant 0 : i32
    %dma_wait3A_26 = arith.constant 0 : i32
    %dma_wait3A_27 = tpu.memref_slice %arg2[%mul3A_2, %dma_wait3A_25, %dma_wait3A_26] : memref<4096x2x100xi32, #tpu.memory_space<hbm>> -> memref<128x2x100xi32, #tpu.memory_space<hbm>>
    tpu.wait_dma2 semaphore(%arg14 : memref<!tpu.dma_semaphore, #tpu.memory_space<semaphore_mem>>) src(%dma_wait3A_27 : memref<128x2x100xi32, #tpu.memory_space<hbm>>) dst(%arg7 : memref<128x2x100xi32, #tpu.memory_space<vmem>>)
    %dma_start3A_28 = arith.constant 0 : i32
    %dma_start3A_29 = arith.constant 0 : i32
    %dma_start3A_30 = arith.constant 0 : i32
    %dma_start3A_31 = arith.constant 0 : i32
    %dma_start3A_32 = arith.constant 0 : i32
    %dma_start3A_33 = tpu.memref_slice %arg8[%dma_start3A_30, %dma_start3A_31, %dma_start3A_32] : memref<2x2x100xf32, #tpu.memory_space<vmem>> -> memref<1x1x100xf32, #tpu.memory_space<vmem>>
    %dma_start3A_34 = tpu.memref_squeeze %dma_start3A_33 : memref<1x1x100xf32, #tpu.memory_space<vmem>> -> memref<100xf32, #tpu.memory_space<vmem>>
    %dma_start3A_35 = arith.constant 0 : i32
    %dma_start3A_36 = tpu.memref_slice %arg7[%dma_start3A_28, %dma_start3A_29, %dma_start3A_35] : memref<128x2x100xi32, #tpu.memory_space<vmem>> -> memref<1x1x100xi32, #tpu.memory_space<vmem>>
    %dma_start3A_37 = tpu.memref_squeeze %dma_start3A_36 : memref<1x1x100xi32, #tpu.memory_space<vmem>> -> memref<100xi32, #tpu.memory_space<vmem>>
    %dma_start3A_38 = arith.constant 0 : i32
    %dma_start3A_39 = tpu.memref_slice %arg6[%dma_start3A_38] : memref<1000000xf32, #tpu.memory_space<vmem_shared>> -> memref<1000000xf32, #tpu.memory_space<vmem_shared>>
    tpu.enqueue_indirect_dma source(%dma_start3A_39 : memref<1000000xf32, #tpu.memory_space<vmem_shared>>) target(%dma_start3A_34 : memref<100xf32, #tpu.memory_space<vmem>>) offsets(%dma_start3A_37 : memref<100xi32, #tpu.memory_space<vmem>>) semaphore(%arg12 : memref<!tpu.dma_semaphore, #tpu.memory_space<semaphore_mem>>)
    %dma_start3A_40 = arith.constant 0 : i32
    %dma_start3A_41 = arith.constant 1 : i32
    %dma_start3A_42 = arith.constant 0 : i32
    %dma_start3A_43 = arith.constant 1 : i32
    %dma_start3A_44 = arith.constant 0 : i32
    %dma_start3A_45 = tpu.memref_slice %arg8[%dma_start3A_42, %dma_start3A_43, %dma_start3A_44] : memref<2x2x100xf32, #tpu.memory_space<vmem>> -> memref<1x1x100xf32, #tpu.memory_space<vmem>>
    %dma_start3A_46 = tpu.memref_squeeze %dma_start3A_45 : memref<1x1x100xf32, #tpu.memory_space<vmem>> -> memref<100xf32, #tpu.memory_space<vmem>>
    %dma_start3A_47 = arith.constant 0 : i32
    %dma_start3A_48 = tpu.memref_slice %arg7[%dma_start3A_40, %dma_start3A_41, %dma_start3A_47] : memref<128x2x100xi32, #tpu.memory_space<vmem>> -> memref<1x1x100xi32, #tpu.memory_space<vmem>>
    %dma_start3A_49 = tpu.memref_squeeze %dma_start3A_48 : memref<1x1x100xi32, #tpu.memory_space<vmem>> -> memref<100xi32, #tpu.memory_space<vmem>>
    %dma_start3A_50 = arith.constant 0 : i32
    %dma_start3A_51 = tpu.memref_slice %arg6[%dma_start3A_50] : memref<1000000xf32, #tpu.memory_space<vmem_shared>> -> memref<1000000xf32, #tpu.memory_space<vmem_shared>>
    tpu.enqueue_indirect_dma source(%dma_start3A_51 : memref<1000000xf32, #tpu.memory_space<vmem_shared>>) target(%dma_start3A_46 : memref<100xf32, #tpu.memory_space<vmem>>) offsets(%dma_start3A_49 : memref<100xi32, #tpu.memory_space<vmem>>) semaphore(%arg12 : memref<!tpu.dma_semaphore, #tpu.memory_space<semaphore_mem>>)
    %scan3A = arith.constant 0 : i32
    %scan3A_52 = arith.constant 2.000000e+02 : f32
    %scan3A_53 = arith.constant 0 : i32
    %scan3A_54 = arith.constant 64 : i32
    %scan3A_55 = arith.addi %scan3A_53, %scan3A_54 : i32
    %scan3A_56 = arith.constant 1 : i32
    scf.for %scan3A_190 = %scan3A_53 to %scan3A_55 step %scan3A_56  : i32 {
      %mul3A_191 = arith.constant 2 : i32
      %mul3A_192 = arith.muli %mul3A_191, %scan3A_190 : i32
      %add3A_193 = arith.constant 1 : i32
      %add3A_194 = arith.addi %mul3A_192, %add3A_193 : i32
      %dma_start3A_195 = arith.constant 0 : i32
      %dma_start3A_196 = arith.constant 1 : i32
      %dma_start3A_197 = arith.constant 0 : i32
      %dma_start3A_198 = arith.constant 0 : i32
      %dma_start3A_199 = tpu.memref_slice %arg8[%dma_start3A_196, %dma_start3A_197, %dma_start3A_198] : memref<2x2x100xf32, #tpu.memory_space<vmem>> -> memref<1x1x100xf32, #tpu.memory_space<vmem>>
      %dma_start3A_200 = tpu.memref_squeeze %dma_start3A_199 : memref<1x1x100xf32, #tpu.memory_space<vmem>> -> memref<100xf32, #tpu.memory_space<vmem>>
      %dma_start3A_201 = arith.constant 0 : i32
      %dma_start3A_202 = tpu.memref_slice %arg7[%add3A_194, %dma_start3A_195, %dma_start3A_201] : memref<128x2x100xi32, #tpu.memory_space<vmem>> -> memref<1x1x100xi32, #tpu.memory_space<vmem>>
      %dma_start3A_203 = tpu.memref_squeeze %dma_start3A_202 : memref<1x1x100xi32, #tpu.memory_space<vmem>> -> memref<100xi32, #tpu.memory_space<vmem>>
      %dma_start3A_204 = arith.constant 0 : i32
      %dma_start3A_205 = tpu.memref_slice %arg6[%dma_start3A_204] : memref<1000000xf32, #tpu.memory_space<vmem_shared>> -> memref<1000000xf32, #tpu.memory_space<vmem_shared>>
      tpu.enqueue_indirect_dma source(%dma_start3A_205 : memref<1000000xf32, #tpu.memory_space<vmem_shared>>) target(%dma_start3A_200 : memref<100xf32, #tpu.memory_space<vmem>>) offsets(%dma_start3A_203 : memref<100xi32, #tpu.memory_space<vmem>>) semaphore(%arg13 : memref<!tpu.dma_semaphore, #tpu.memory_space<semaphore_mem>>)
      %dma_start3A_206 = arith.constant 1 : i32
      %dma_start3A_207 = arith.constant 1 : i32
      %dma_start3A_208 = arith.constant 1 : i32
      %dma_start3A_209 = arith.constant 0 : i32
      %dma_start3A_210 = tpu.memref_slice %arg8[%dma_start3A_207, %dma_start3A_208, %dma_start3A_209] : memref<2x2x100xf32, #tpu.memory_space<vmem>> -> memref<1x1x100xf32, #tpu.memory_space<vmem>>
      %dma_start3A_211 = tpu.memref_squeeze %dma_start3A_210 : memref<1x1x100xf32, #tpu.memory_space<vmem>> -> memref<100xf32, #tpu.memory_space<vmem>>
      %dma_start3A_212 = arith.constant 0 : i32
      %dma_start3A_213 = tpu.memref_slice %arg7[%add3A_194, %dma_start3A_206, %dma_start3A_212] : memref<128x2x100xi32, #tpu.memory_space<vmem>> -> memref<1x1x100xi32, #tpu.memory_space<vmem>>
      %dma_start3A_214 = tpu.memref_squeeze %dma_start3A_213 : memref<1x1x100xi32, #tpu.memory_space<vmem>> -> memref<100xi32, #tpu.memory_space<vmem>>
      %dma_start3A_215 = arith.constant 0 : i32
      %dma_start3A_216 = tpu.memref_slice %arg6[%dma_start3A_215] : memref<1000000xf32, #tpu.memory_space<vmem_shared>> -> memref<1000000xf32, #tpu.memory_space<vmem_shared>>
      tpu.enqueue_indirect_dma source(%dma_start3A_216 : memref<1000000xf32, #tpu.memory_space<vmem_shared>>) target(%dma_start3A_211 : memref<100xf32, #tpu.memory_space<vmem>>) offsets(%dma_start3A_214 : memref<100xi32, #tpu.memory_space<vmem>>) semaphore(%arg13 : memref<!tpu.dma_semaphore, #tpu.memory_space<semaphore_mem>>)
      %dma_wait3A_217 = arith.constant 0 : i32
      %dma_wait3A_218 = arith.constant 0 : i32
      %dma_wait3A_219 = arith.constant 0 : i32
      %dma_wait3A_220 = arith.constant 0 : i32
      %dma_wait3A_221 = tpu.memref_slice %arg8[%dma_wait3A_218, %dma_wait3A_219, %dma_wait3A_220] : memref<2x2x100xf32, #tpu.memory_space<vmem>> -> memref<1x1x100xf32, #tpu.memory_space<vmem>>
      %dma_wait3A_222 = tpu.memref_squeeze %dma_wait3A_221 : memref<1x1x100xf32, #tpu.memory_space<vmem>> -> memref<100xf32, #tpu.memory_space<vmem>>
      %dma_wait3A_223 = arith.constant 0 : i32
      %dma_wait3A_224 = tpu.memref_slice %arg7[%mul3A_192, %dma_wait3A_217, %dma_wait3A_223] : memref<128x2x100xi32, #tpu.memory_space<vmem>> -> memref<1x1x100xi32, #tpu.memory_space<vmem>>
      %dma_wait3A_225 = tpu.memref_squeeze %dma_wait3A_224 : memref<1x1x100xi32, #tpu.memory_space<vmem>> -> memref<100xi32, #tpu.memory_space<vmem>>
      %dma_wait3A_226 = arith.constant 0 : i32
      %dma_wait3A_227 = tpu.memref_slice %arg6[%dma_wait3A_226] : memref<1000000xf32, #tpu.memory_space<vmem_shared>> -> memref<1000000xf32, #tpu.memory_space<vmem_shared>>
      tpu.wait_indirect_dma semaphore(%arg12 : memref<!tpu.dma_semaphore, #tpu.memory_space<semaphore_mem>>) src(%dma_wait3A_227 : memref<1000000xf32, #tpu.memory_space<vmem_shared>>) dst(%dma_wait3A_222 : memref<100xf32, #tpu.memory_space<vmem>>)
      %dma_wait3A_228 = arith.constant 1 : i32
      %dma_wait3A_229 = arith.constant 0 : i32
      %dma_wait3A_230 = arith.constant 1 : i32
      %dma_wait3A_231 = arith.constant 0 : i32
      %dma_wait3A_232 = tpu.memref_slice %arg8[%dma_wait3A_229, %dma_wait3A_230, %dma_wait3A_231] : memref<2x2x100xf32, #tpu.memory_space<vmem>> -> memref<1x1x100xf32, #tpu.memory_space<vmem>>
      %dma_wait3A_233 = tpu.memref_squeeze %dma_wait3A_232 : memref<1x1x100xf32, #tpu.memory_space<vmem>> -> memref<100xf32, #tpu.memory_space<vmem>>
      %dma_wait3A_234 = arith.constant 0 : i32
      %dma_wait3A_235 = tpu.memref_slice %arg7[%mul3A_192, %dma_wait3A_228, %dma_wait3A_234] : memref<128x2x100xi32, #tpu.memory_space<vmem>> -> memref<1x1x100xi32, #tpu.memory_space<vmem>>
      %dma_wait3A_236 = tpu.memref_squeeze %dma_wait3A_235 : memref<1x1x100xi32, #tpu.memory_space<vmem>> -> memref<100xi32, #tpu.memory_space<vmem>>
      %dma_wait3A_237 = arith.constant 0 : i32
      %dma_wait3A_238 = tpu.memref_slice %arg6[%dma_wait3A_237] : memref<1000000xf32, #tpu.memory_space<vmem_shared>> -> memref<1000000xf32, #tpu.memory_space<vmem_shared>>
      tpu.wait_indirect_dma semaphore(%arg12 : memref<!tpu.dma_semaphore, #tpu.memory_space<semaphore_mem>>) src(%dma_wait3A_238 : memref<1000000xf32, #tpu.memory_space<vmem_shared>>) dst(%dma_wait3A_233 : memref<100xf32, #tpu.memory_space<vmem>>)
      %get3A_239 = arith.constant 0 : i32
      %get3A_240 = arith.constant 0 : i32
      %get3A_241 = arith.index_cast %get3A_239 : i32 to index
      %get3A_242 = arith.index_cast %get3A_240 : i32 to index
      %get3A_243 = arith.constant 0 : index
      %get3A_244 = tpu.vector_load %arg8[%get3A_241, %get3A_242, %get3A_243] {strides = array<i32>} : memref<2x2x100xf32, #tpu.memory_space<vmem>>, vector<16xf32>,
      %add3A_245 = arith.addf %broadcast_in_dim3A_15, %get3A_244 : vector<16xf32>
      %get3A_246 = arith.constant 0 : i32
      %get3A_247 = arith.index_cast %mul3A_192 : i32 to index
      %get3A_248 = arith.index_cast %get3A_246 : i32 to index
      %get3A_249 = arith.constant 0 : index
      %get3A_250 = tpu.vector_load %arg7[%get3A_247, %get3A_248, %get3A_249] {strides = array<i32>} : memref<128x2x100xi32, #tpu.memory_space<vmem>>, vector<16xi32>,
      %ne3A = arith.constant 0 : i32
      %ne3A_251 = vector.broadcast %ne3A : i32 to vector<16xi32>
      %ne3A_252 = arith.cmpi ne, %get3A_250, %ne3A_251 : vector<16xi32>
      %select_n3A = arith.select %ne3A_252, %broadcast_in_dim3A_17, %broadcast_in_dim3A_15 : vector<16xi1>, vector<16xf32>
      %add3A_253 = arith.addf %broadcast_in_dim3A_15, %select_n3A : vector<16xf32>
      %get3A_254 = arith.constant 0 : i32
      %get3A_255 = arith.constant 0 : i32
      %get3A_256 = arith.index_cast %get3A_254 : i32 to index
      %get3A_257 = arith.index_cast %get3A_255 : i32 to index
      %get3A_258 = arith.constant 16 : index
      %get3A_259 = tpu.vector_load %arg8[%get3A_256, %get3A_257, %get3A_258] {strides = array<i32>} : memref<2x2x100xf32, #tpu.memory_space<vmem>>, vector<16xf32>,
      %add3A_260 = arith.addf %add3A_245, %get3A_259 : vector<16xf32>
      %get3A_261 = arith.constant 0 : i32
      %get3A_262 = arith.index_cast %mul3A_192 : i32 to index
      %get3A_263 = arith.index_cast %get3A_261 : i32 to index
      %get3A_264 = arith.constant 16 : index
      %get3A_265 = tpu.vector_load %arg7[%get3A_262, %get3A_263, %get3A_264] {strides = array<i32>} : memref<128x2x100xi32, #tpu.memory_space<vmem>>, vector<16xi32>,
      %ne3A_266 = arith.constant 0 : i32
      %ne3A_267 = vector.broadcast %ne3A_266 : i32 to vector<16xi32>
      %ne3A_268 = arith.cmpi ne, %get3A_265, %ne3A_267 : vector<16xi32>
      %select_n3A_269 = arith.select %ne3A_268, %broadcast_in_dim3A_17, %broadcast_in_dim3A_15 : vector<16xi1>, vector<16xf32>
      %add3A_270 = arith.addf %add3A_253, %select_n3A_269 : vector<16xf32>
      %get3A_271 = arith.constant 0 : i32
      %get3A_272 = arith.constant 0 : i32
      %get3A_273 = arith.index_cast %get3A_271 : i32 to index
      %get3A_274 = arith.index_cast %get3A_272 : i32 to index
      %get3A_275 = arith.constant 32 : index
      %get3A_276 = tpu.vector_load %arg8[%get3A_273, %get3A_274, %get3A_275] {strides = array<i32>} : memref<2x2x100xf32, #tpu.memory_space<vmem>>, vector<16xf32>,
      %add3A_277 = arith.addf %add3A_260, %get3A_276 : vector<16xf32>
      %get3A_278 = arith.constant 0 : i32
      %get3A_279 = arith.index_cast %mul3A_192 : i32 to index
      %get3A_280 = arith.index_cast %get3A_278 : i32 to index
      %get3A_281 = arith.constant 32 : index
      %get3A_282 = tpu.vector_load %arg7[%get3A_279, %get3A_280, %get3A_281] {strides = array<i32>} : memref<128x2x100xi32, #tpu.memory_space<vmem>>, vector<16xi32>,
      %ne3A_283 = arith.constant 0 : i32
      %ne3A_284 = vector.broadcast %ne3A_283 : i32 to vector<16xi32>
      %ne3A_285 = arith.cmpi ne, %get3A_282, %ne3A_284 : vector<16xi32>
      %select_n3A_286 = arith.select %ne3A_285, %broadcast_in_dim3A_17, %broadcast_in_dim3A_15 : vector<16xi1>, vector<16xf32>
      %add3A_287 = arith.addf %add3A_270, %select_n3A_286 : vector<16xf32>
      %get3A_288 = arith.constant 0 : i32
      %get3A_289 = arith.constant 0 : i32
      %get3A_290 = arith.index_cast %get3A_288 : i32 to index
      %get3A_291 = arith.index_cast %get3A_289 : i32 to index
      %get3A_292 = arith.constant 48 : index
      %get3A_293 = tpu.vector_load %arg8[%get3A_290, %get3A_291, %get3A_292] {strides = array<i32>} : memref<2x2x100xf32, #tpu.memory_space<vmem>>, vector<16xf32>,
      %add3A_294 = arith.addf %add3A_277, %get3A_293 : vector<16xf32>
      %get3A_295 = arith.constant 0 : i32
      %get3A_296 = arith.index_cast %mul3A_192 : i32 to index
      %get3A_297 = arith.index_cast %get3A_295 : i32 to index
      %get3A_298 = arith.constant 48 : index
      %get3A_299 = tpu.vector_load %arg7[%get3A_296, %get3A_297, %get3A_298] {strides = array<i32>} : memref<128x2x100xi32, #tpu.memory_space<vmem>>, vector<16xi32>,
      %ne3A_300 = arith.constant 0 : i32
      %ne3A_301 = vector.broadcast %ne3A_300 : i32 to vector<16xi32>
      %ne3A_302 = arith.cmpi ne, %get3A_299, %ne3A_301 : vector<16xi32>
      %select_n3A_303 = arith.select %ne3A_302, %broadcast_in_dim3A_17, %broadcast_in_dim3A_15 : vector<16xi1>, vector<16xf32>
      %add3A_304 = arith.addf %add3A_287, %select_n3A_303 : vector<16xf32>
      %get3A_305 = arith.constant 0 : i32
      %get3A_306 = arith.constant 0 : i32
      %get3A_307 = arith.index_cast %get3A_305 : i32 to index
      %get3A_308 = arith.index_cast %get3A_306 : i32 to index
      %get3A_309 = arith.constant 64 : index
      %get3A_310 = tpu.vector_load %arg8[%get3A_307, %get3A_308, %get3A_309] {strides = array<i32>} : memref<2x2x100xf32, #tpu.memory_space<vmem>>, vector<16xf32>,
      %add3A_311 = arith.addf %add3A_294, %get3A_310 : vector<16xf32>
      %get3A_312 = arith.constant 0 : i32
      %get3A_313 = arith.index_cast %mul3A_192 : i32 to index
      %get3A_314 = arith.index_cast %get3A_312 : i32 to index
      %get3A_315 = arith.constant 64 : index
      %get3A_316 = tpu.vector_load %arg7[%get3A_313, %get3A_314, %get3A_315] {strides = array<i32>} : memref<128x2x100xi32, #tpu.memory_space<vmem>>, vector<16xi32>,
      %ne3A_317 = arith.constant 0 : i32
      %ne3A_318 = vector.broadcast %ne3A_317 : i32 to vector<16xi32>
      %ne3A_319 = arith.cmpi ne, %get3A_316, %ne3A_318 : vector<16xi32>
      %select_n3A_320 = arith.select %ne3A_319, %broadcast_in_dim3A_17, %broadcast_in_dim3A_15 : vector<16xi1>, vector<16xf32>
      %add3A_321 = arith.addf %add3A_304, %select_n3A_320 : vector<16xf32>
      %get3A_322 = arith.constant 0 : i32
      %get3A_323 = arith.constant 0 : i32
      %get3A_324 = arith.index_cast %get3A_322 : i32 to index
      %get3A_325 = arith.index_cast %get3A_323 : i32 to index
      %get3A_326 = arith.constant 80 : index
      %get3A_327 = tpu.vector_load %arg8[%get3A_324, %get3A_325, %get3A_326] {strides = array<i32>} : memref<2x2x100xf32, #tpu.memory_space<vmem>>, vector<16xf32>,
      %add3A_328 = arith.addf %add3A_311, %get3A_327 : vector<16xf32>
      %get3A_329 = arith.constant 0 : i32
      %get3A_330 = arith.index_cast %mul3A_192 : i32 to index
      %get3A_331 = arith.index_cast %get3A_329 : i32 to index
      %get3A_332 = arith.constant 80 : index
      %get3A_333 = tpu.vector_load %arg7[%get3A_330, %get3A_331, %get3A_332] {strides = array<i32>} : memref<128x2x100xi32, #tpu.memory_space<vmem>>, vector<16xi32>,
      %ne3A_334 = arith.constant 0 : i32
      %ne3A_335 = vector.broadcast %ne3A_334 : i32 to vector<16xi32>
      %ne3A_336 = arith.cmpi ne, %get3A_333, %ne3A_335 : vector<16xi32>
      %select_n3A_337 = arith.select %ne3A_336, %broadcast_in_dim3A_17, %broadcast_in_dim3A_15 : vector<16xi1>, vector<16xf32>
      %add3A_338 = arith.addf %add3A_321, %select_n3A_337 : vector<16xf32>
      %ge3A = arith.constant 12 : i32
      %ge3A_339 = vector.broadcast %ge3A : i32 to vector<16xi32>
      %ge3A_340 = arith.cmpi sge, %iota3A, %ge3A_339 : vector<16xi32>
      %get3A_341 = arith.constant 0 : i32
      %get3A_342 = arith.constant 0 : i32
      %get3A_343 = arith.index_cast %get3A_341 : i32 to index
      %get3A_344 = arith.index_cast %get3A_342 : i32 to index
      %get3A_345 = arith.constant 84 : index
      %get3A_346 = tpu.vector_load %arg8[%get3A_343, %get3A_344, %get3A_345] {strides = array<i32>} : memref<2x2x100xf32, #tpu.memory_space<vmem>>, vector<16xf32>,
      %select_n3A_347 = arith.select %ge3A_340, %get3A_346, %broadcast_in_dim3A_15 : vector<16xi1>, vector<16xf32>
      %add3A_348 = arith.addf %add3A_328, %select_n3A_347 : vector<16xf32>
      %get3A_349 = arith.constant 0 : i32
      %get3A_350 = arith.index_cast %mul3A_192 : i32 to index
      %get3A_351 = arith.index_cast %get3A_349 : i32 to index
      %get3A_352 = arith.constant 84 : index
      %get3A_353 = tpu.vector_load %arg7[%get3A_350, %get3A_351, %get3A_352] {strides = array<i32>} : memref<128x2x100xi32, #tpu.memory_space<vmem>>, vector<16xi32>,
      %ne3A_354 = arith.constant 0 : i32
      %ne3A_355 = vector.broadcast %ne3A_354 : i32 to vector<16xi32>
      %ne3A_356 = arith.cmpi ne, %get3A_353, %ne3A_355 : vector<16xi32>
      %and3A = arith.andi %ne3A_356, %ge3A_340 : vector<16xi1>
      %select_n3A_357 = arith.select %and3A, %broadcast_in_dim3A_17, %broadcast_in_dim3A_15 : vector<16xi1>, vector<16xf32>
      %add3A_358 = arith.addf %add3A_338, %select_n3A_357 : vector<16xf32>
      %get3A_359 = arith.constant 0 : i32
      %get3A_360 = arith.constant 1 : i32
      %get3A_361 = arith.index_cast %get3A_359 : i32 to index
      %get3A_362 = arith.index_cast %get3A_360 : i32 to index
      %get3A_363 = arith.constant 0 : index
      %get3A_364 = tpu.vector_load %arg8[%get3A_361, %get3A_362, %get3A_363] {strides = array<i32>} : memref<2x2x100xf32, #tpu.memory_space<vmem>>, vector<16xf32>,
      %add3A_365 = arith.addf %add3A_348, %get3A_364 : vector<16xf32>
      %get3A_366 = arith.constant 1 : i32
      %get3A_367 = arith.index_cast %mul3A_192 : i32 to index
      %get3A_368 = arith.index_cast %get3A_366 : i32 to index
      %get3A_369 = arith.constant 0 : index
      %get3A_370 = tpu.vector_load %arg7[%get3A_367, %get3A_368, %get3A_369] {strides = array<i32>} : memref<128x2x100xi32, #tpu.memory_space<vmem>>, vector<16xi32>,
      %ne3A_371 = arith.constant 0 : i32
      %ne3A_372 = vector.broadcast %ne3A_371 : i32 to vector<16xi32>
      %ne3A_373 = arith.cmpi ne, %get3A_370, %ne3A_372 : vector<16xi32>
      %select_n3A_374 = arith.select %ne3A_373, %broadcast_in_dim3A_17, %broadcast_in_dim3A_15 : vector<16xi1>, vector<16xf32>
      %add3A_375 = arith.addf %add3A_358, %select_n3A_374 : vector<16xf32>
      %get3A_376 = arith.constant 0 : i32
      %get3A_377 = arith.constant 1 : i32
      %get3A_378 = arith.index_cast %get3A_376 : i32 to index
      %get3A_379 = arith.index_cast %get3A_377 : i32 to index
      %get3A_380 = arith.constant 16 : index
      %get3A_381 = tpu.vector_load %arg8[%get3A_378, %get3A_379, %get3A_380] {strides = array<i32>} : memref<2x2x100xf32, #tpu.memory_space<vmem>>, vector<16xf32>,
      %add3A_382 = arith.addf %add3A_365, %get3A_381 : vector<16xf32>
      %get3A_383 = arith.constant 1 : i32
      %get3A_384 = arith.index_cast %mul3A_192 : i32 to index
      %get3A_385 = arith.index_cast %get3A_383 : i32 to index
      %get3A_386 = arith.constant 16 : index
      %get3A_387 = tpu.vector_load %arg7[%get3A_384, %get3A_385, %get3A_386] {strides = array<i32>} : memref<128x2x100xi32, #tpu.memory_space<vmem>>, vector<16xi32>,
      %ne3A_388 = arith.constant 0 : i32
      %ne3A_389 = vector.broadcast %ne3A_388 : i32 to vector<16xi32>
      %ne3A_390 = arith.cmpi ne, %get3A_387, %ne3A_389 : vector<16xi32>
      %select_n3A_391 = arith.select %ne3A_390, %broadcast_in_dim3A_17, %broadcast_in_dim3A_15 : vector<16xi1>, vector<16xf32>
      %add3A_392 = arith.addf %add3A_375, %select_n3A_391 : vector<16xf32>
      %get3A_393 = arith.constant 0 : i32
      %get3A_394 = arith.constant 1 : i32
      %get3A_395 = arith.index_cast %get3A_393 : i32 to index
      %get3A_396 = arith.index_cast %get3A_394 : i32 to index
      %get3A_397 = arith.constant 32 : index
      %get3A_398 = tpu.vector_load %arg8[%get3A_395, %get3A_396, %get3A_397] {strides = array<i32>} : memref<2x2x100xf32, #tpu.memory_space<vmem>>, vector<16xf32>,
      %add3A_399 = arith.addf %add3A_382, %get3A_398 : vector<16xf32>
      %get3A_400 = arith.constant 1 : i32
      %get3A_401 = arith.index_cast %mul3A_192 : i32 to index
      %get3A_402 = arith.index_cast %get3A_400 : i32 to index
      %get3A_403 = arith.constant 32 : index
      %get3A_404 = tpu.vector_load %arg7[%get3A_401, %get3A_402, %get3A_403] {strides = array<i32>} : memref<128x2x100xi32, #tpu.memory_space<vmem>>, vector<16xi32>,
      %ne3A_405 = arith.constant 0 : i32
      %ne3A_406 = vector.broadcast %ne3A_405 : i32 to vector<16xi32>
      %ne3A_407 = arith.cmpi ne, %get3A_404, %ne3A_406 : vector<16xi32>
      %select_n3A_408 = arith.select %ne3A_407, %broadcast_in_dim3A_17, %broadcast_in_dim3A_15 : vector<16xi1>, vector<16xf32>
      %add3A_409 = arith.addf %add3A_392, %select_n3A_408 : vector<16xf32>
      %get3A_410 = arith.constant 0 : i32
      %get3A_411 = arith.constant 1 : i32
      %get3A_412 = arith.index_cast %get3A_410 : i32 to index
      %get3A_413 = arith.index_cast %get3A_411 : i32 to index
      %get3A_414 = arith.constant 48 : index
      %get3A_415 = tpu.vector_load %arg8[%get3A_412, %get3A_413, %get3A_414] {strides = array<i32>} : memref<2x2x100xf32, #tpu.memory_space<vmem>>, vector<16xf32>,
      %add3A_416 = arith.addf %add3A_399, %get3A_415 : vector<16xf32>
      %get3A_417 = arith.constant 1 : i32
      %get3A_418 = arith.index_cast %mul3A_192 : i32 to index
      %get3A_419 = arith.index_cast %get3A_417 : i32 to index
      %get3A_420 = arith.constant 48 : index
      %get3A_421 = tpu.vector_load %arg7[%get3A_418, %get3A_419, %get3A_420] {strides = array<i32>} : memref<128x2x100xi32, #tpu.memory_space<vmem>>, vector<16xi32>,
      %ne3A_422 = arith.constant 0 : i32
      %ne3A_423 = vector.broadcast %ne3A_422 : i32 to vector<16xi32>
      %ne3A_424 = arith.cmpi ne, %get3A_421, %ne3A_423 : vector<16xi32>
      %select_n3A_425 = arith.select %ne3A_424, %broadcast_in_dim3A_17, %broadcast_in_dim3A_15 : vector<16xi1>, vector<16xf32>
      %add3A_426 = arith.addf %add3A_409, %select_n3A_425 : vector<16xf32>
      %get3A_427 = arith.constant 0 : i32
      %get3A_428 = arith.constant 1 : i32
      %get3A_429 = arith.index_cast %get3A_427 : i32 to index
      %get3A_430 = arith.index_cast %get3A_428 : i32 to index
      %get3A_431 = arith.constant 64 : index
      %get3A_432 = tpu.vector_load %arg8[%get3A_429, %get3A_430, %get3A_431] {strides = array<i32>} : memref<2x2x100xf32, #tpu.memory_space<vmem>>, vector<16xf32>,
      %add3A_433 = arith.addf %add3A_416, %get3A_432 : vector<16xf32>
      %get3A_434 = arith.constant 1 : i32
      %get3A_435 = arith.index_cast %mul3A_192 : i32 to index
      %get3A_436 = arith.index_cast %get3A_434 : i32 to index
      %get3A_437 = arith.constant 64 : index
      %get3A_438 = tpu.vector_load %arg7[%get3A_435, %get3A_436, %get3A_437] {strides = array<i32>} : memref<128x2x100xi32, #tpu.memory_space<vmem>>, vector<16xi32>,
      %ne3A_439 = arith.constant 0 : i32
      %ne3A_440 = vector.broadcast %ne3A_439 : i32 to vector<16xi32>
      %ne3A_441 = arith.cmpi ne, %get3A_438, %ne3A_440 : vector<16xi32>
      %select_n3A_442 = arith.select %ne3A_441, %broadcast_in_dim3A_17, %broadcast_in_dim3A_15 : vector<16xi1>, vector<16xf32>
      %add3A_443 = arith.addf %add3A_426, %select_n3A_442 : vector<16xf32>
      %get3A_444 = arith.constant 0 : i32
      %get3A_445 = arith.constant 1 : i32
      %get3A_446 = arith.index_cast %get3A_444 : i32 to index
      %get3A_447 = arith.index_cast %get3A_445 : i32 to index
      %get3A_448 = arith.constant 80 : index
      %get3A_449 = tpu.vector_load %arg8[%get3A_446, %get3A_447, %get3A_448] {strides = array<i32>} : memref<2x2x100xf32, #tpu.memory_space<vmem>>, vector<16xf32>,
      %add3A_450 = arith.addf %add3A_433, %get3A_449 : vector<16xf32>
      %get3A_451 = arith.constant 1 : i32
      %get3A_452 = arith.index_cast %mul3A_192 : i32 to index
      %get3A_453 = arith.index_cast %get3A_451 : i32 to index
      %get3A_454 = arith.constant 80 : index
      %get3A_455 = tpu.vector_load %arg7[%get3A_452, %get3A_453, %get3A_454] {strides = array<i32>} : memref<128x2x100xi32, #tpu.memory_space<vmem>>, vector<16xi32>,
      %ne3A_456 = arith.constant 0 : i32
      %ne3A_457 = vector.broadcast %ne3A_456 : i32 to vector<16xi32>
      %ne3A_458 = arith.cmpi ne, %get3A_455, %ne3A_457 : vector<16xi32>
      %select_n3A_459 = arith.select %ne3A_458, %broadcast_in_dim3A_17, %broadcast_in_dim3A_15 : vector<16xi1>, vector<16xf32>
      %add3A_460 = arith.addf %add3A_443, %select_n3A_459 : vector<16xf32>
      %ge3A_461 = arith.constant 12 : i32
      %ge3A_462 = vector.broadcast %ge3A_461 : i32 to vector<16xi32>
      %ge3A_463 = arith.cmpi sge, %iota3A, %ge3A_462 : vector<16xi32>
      %get3A_464 = arith.constant 0 : i32
      %get3A_465 = arith.constant 1 : i32
      %get3A_466 = arith.index_cast %get3A_464 : i32 to index
      %get3A_467 = arith.index_cast %get3A_465 : i32 to index
      %get3A_468 = arith.constant 84 : index
      %get3A_469 = tpu.vector_load %arg8[%get3A_466, %get3A_467, %get3A_468] {strides = array<i32>} : memref<2x2x100xf32, #tpu.memory_space<vmem>>, vector<16xf32>,
      %select_n3A_470 = arith.select %ge3A_463, %get3A_469, %broadcast_in_dim3A_15 : vector<16xi1>, vector<16xf32>
      %add3A_471 = arith.addf %add3A_450, %select_n3A_470 : vector<16xf32>
      %get3A_472 = arith.constant 1 : i32
      %get3A_473 = arith.index_cast %mul3A_192 : i32 to index
      %get3A_474 = arith.index_cast %get3A_472 : i32 to index
      %get3A_475 = arith.constant 84 : index
      %get3A_476 = tpu.vector_load %arg7[%get3A_473, %get3A_474, %get3A_475] {strides = array<i32>} : memref<128x2x100xi32, #tpu.memory_space<vmem>>, vector<16xi32>,
      %ne3A_477 = arith.constant 0 : i32
      %ne3A_478 = vector.broadcast %ne3A_477 : i32 to vector<16xi32>
      %ne3A_479 = arith.cmpi ne, %get3A_476, %ne3A_478 : vector<16xi32>
      %and3A_480 = arith.andi %ne3A_479, %ge3A_463 : vector<16xi1>
      %select_n3A_481 = arith.select %and3A_480, %broadcast_in_dim3A_17, %broadcast_in_dim3A_15 : vector<16xi1>, vector<16xf32>
      %add3A_482 = arith.addf %add3A_460, %select_n3A_481 : vector<16xf32>
      %xor3A = arith.constant 8 : i32
      %xor3A_483 = vector.broadcast %xor3A : i32 to vector<16xi32>
      %xor3A_484 = arith.xori %iota3A, %xor3A_483 : vector<16xi32>
      %lt3A = arith.constant 0 : i32
      %lt3A_485 = vector.broadcast %lt3A : i32 to vector<16xi32>
      %lt3A_486 = arith.cmpi slt, %xor3A_484, %lt3A_485 : vector<16xi32>
      %add3A_487 = arith.constant 16 : i32
      %add3A_488 = vector.broadcast %add3A_487 : i32 to vector<16xi32>
      %add3A_489 = arith.addi %xor3A_484, %add3A_488 : vector<16xi32>
      %select_n3A_490 = arith.select %lt3A_486, %add3A_489, %xor3A_484 : vector<16xi1>, vector<16xi32>
      %reshape3A = vector.shape_cast %select_n3A_490 : vector<16xi32> to vector<16x1xi32>
      %gather3A = vector.shape_cast %reshape3A : vector<16x1xi32> to vector<16xi32>
      %gather3A_491 = tpu.dynamic_gather %add3A_482[%gather3A] in [0] : vector<16xf32>, vector<16xi32> -> vector<16xf32>
      %add3A_492 = arith.addf %add3A_482, %gather3A_491 : vector<16xf32>
      %xor3A_493 = arith.constant 4 : i32
      %xor3A_494 = vector.broadcast %xor3A_493 : i32 to vector<16xi32>
      %xor3A_495 = arith.xori %iota3A, %xor3A_494 : vector<16xi32>
      %lt3A_496 = arith.constant 0 : i32
      %lt3A_497 = vector.broadcast %lt3A_496 : i32 to vector<16xi32>
      %lt3A_498 = arith.cmpi slt, %xor3A_495, %lt3A_497 : vector<16xi32>
      %add3A_499 = arith.constant 16 : i32
      %add3A_500 = vector.broadcast %add3A_499 : i32 to vector<16xi32>
      %add3A_501 = arith.addi %xor3A_495, %add3A_500 : vector<16xi32>
      %select_n3A_502 = arith.select %lt3A_498, %add3A_501, %xor3A_495 : vector<16xi1>, vector<16xi32>
      %reshape3A_503 = vector.shape_cast %select_n3A_502 : vector<16xi32> to vector<16x1xi32>
      %gather3A_504 = vector.shape_cast %reshape3A_503 : vector<16x1xi32> to vector<16xi32>
      %gather3A_505 = tpu.dynamic_gather %add3A_492[%gather3A_504] in [0] : vector<16xf32>, vector<16xi32> -> vector<16xf32>
      %add3A_506 = arith.addf %add3A_492, %gather3A_505 : vector<16xf32>
      %xor3A_507 = arith.constant 2 : i32
      %xor3A_508 = vector.broadcast %xor3A_507 : i32 to vector<16xi32>
      %xor3A_509 = arith.xori %iota3A, %xor3A_508 : vector<16xi32>
      %lt3A_510 = arith.constant 0 : i32
      %lt3A_511 = vector.broadcast %lt3A_510 : i32 to vector<16xi32>
      %lt3A_512 = arith.cmpi slt, %xor3A_509, %lt3A_511 : vector<16xi32>
      %add3A_513 = arith.constant 16 : i32
      %add3A_514 = vector.broadcast %add3A_513 : i32 to vector<16xi32>
      %add3A_515 = arith.addi %xor3A_509, %add3A_514 : vector<16xi32>
      %select_n3A_516 = arith.select %lt3A_512, %add3A_515, %xor3A_509 : vector<16xi1>, vector<16xi32>
      %reshape3A_517 = vector.shape_cast %select_n3A_516 : vector<16xi32> to vector<16x1xi32>
      %gather3A_518 = vector.shape_cast %reshape3A_517 : vector<16x1xi32> to vector<16xi32>
      %gather3A_519 = tpu.dynamic_gather %add3A_506[%gather3A_518] in [0] : vector<16xf32>, vector<16xi32> -> vector<16xf32>
      %add3A_520 = arith.addf %add3A_506, %gather3A_519 : vector<16xf32>
      %xor3A_521 = arith.constant 1 : i32
      %xor3A_522 = vector.broadcast %xor3A_521 : i32 to vector<16xi32>
      %xor3A_523 = arith.xori %iota3A, %xor3A_522 : vector<16xi32>
      %lt3A_524 = arith.constant 0 : i32
      %lt3A_525 = vector.broadcast %lt3A_524 : i32 to vector<16xi32>
      %lt3A_526 = arith.cmpi slt, %xor3A_523, %lt3A_525 : vector<16xi32>
      %add3A_527 = arith.constant 16 : i32
      %add3A_528 = vector.broadcast %add3A_527 : i32 to vector<16xi32>
      %add3A_529 = arith.addi %xor3A_523, %add3A_528 : vector<16xi32>
      %select_n3A_530 = arith.select %lt3A_526, %add3A_529, %xor3A_523 : vector<16xi1>, vector<16xi32>
      %reshape3A_531 = vector.shape_cast %select_n3A_530 : vector<16xi32> to vector<16x1xi32>
      %gather3A_532 = vector.shape_cast %reshape3A_531 : vector<16x1xi32> to vector<16xi32>
      %gather3A_533 = tpu.dynamic_gather %add3A_520[%gather3A_532] in [0] : vector<16xf32>, vector<16xi32> -> vector<16xf32>
      %add3A_534 = arith.addf %add3A_520, %gather3A_533 : vector<16xf32>
      %xor3A_535 = arith.constant 8 : i32
      %xor3A_536 = vector.broadcast %xor3A_535 : i32 to vector<16xi32>
      %xor3A_537 = arith.xori %iota3A, %xor3A_536 : vector<16xi32>
      %lt3A_538 = arith.constant 0 : i32
      %lt3A_539 = vector.broadcast %lt3A_538 : i32 to vector<16xi32>
      %lt3A_540 = arith.cmpi slt, %xor3A_537, %lt3A_539 : vector<16xi32>
      %add3A_541 = arith.constant 16 : i32
      %add3A_542 = vector.broadcast %add3A_541 : i32 to vector<16xi32>
      %add3A_543 = arith.addi %xor3A_537, %add3A_542 : vector<16xi32>
      %select_n3A_544 = arith.select %lt3A_540, %add3A_543, %xor3A_537 : vector<16xi1>, vector<16xi32>
      %reshape3A_545 = vector.shape_cast %select_n3A_544 : vector<16xi32> to vector<16x1xi32>
      %gather3A_546 = vector.shape_cast %reshape3A_545 : vector<16x1xi32> to vector<16xi32>
      %gather3A_547 = tpu.dynamic_gather %add3A_471[%gather3A_546] in [0] : vector<16xf32>, vector<16xi32> -> vector<16xf32>
      %add3A_548 = arith.addf %add3A_471, %gather3A_547 : vector<16xf32>
      %xor3A_549 = arith.constant 4 : i32
      %xor3A_550 = vector.broadcast %xor3A_549 : i32 to vector<16xi32>
      %xor3A_551 = arith.xori %iota3A, %xor3A_550 : vector<16xi32>
      %lt3A_552 = arith.constant 0 : i32
      %lt3A_553 = vector.broadcast %lt3A_552 : i32 to vector<16xi32>
      %lt3A_554 = arith.cmpi slt, %xor3A_551, %lt3A_553 : vector<16xi32>
      %add3A_555 = arith.constant 16 : i32
      %add3A_556 = vector.broadcast %add3A_555 : i32 to vector<16xi32>
      %add3A_557 = arith.addi %xor3A_551, %add3A_556 : vector<16xi32>
      %select_n3A_558 = arith.select %lt3A_554, %add3A_557, %xor3A_551 : vector<16xi1>, vector<16xi32>
      %reshape3A_559 = vector.shape_cast %select_n3A_558 : vector<16xi32> to vector<16x1xi32>
      %gather3A_560 = vector.shape_cast %reshape3A_559 : vector<16x1xi32> to vector<16xi32>
      %gather3A_561 = tpu.dynamic_gather %add3A_548[%gather3A_560] in [0] : vector<16xf32>, vector<16xi32> -> vector<16xf32>
      %add3A_562 = arith.addf %add3A_548, %gather3A_561 : vector<16xf32>
      %xor3A_563 = arith.constant 2 : i32
      %xor3A_564 = vector.broadcast %xor3A_563 : i32 to vector<16xi32>
      %xor3A_565 = arith.xori %iota3A, %xor3A_564 : vector<16xi32>
      %lt3A_566 = arith.constant 0 : i32
      %lt3A_567 = vector.broadcast %lt3A_566 : i32 to vector<16xi32>
      %lt3A_568 = arith.cmpi slt, %xor3A_565, %lt3A_567 : vector<16xi32>
      %add3A_569 = arith.constant 16 : i32
      %add3A_570 = vector.broadcast %add3A_569 : i32 to vector<16xi32>
      %add3A_571 = arith.addi %xor3A_565, %add3A_570 : vector<16xi32>
      %select_n3A_572 = arith.select %lt3A_568, %add3A_571, %xor3A_565 : vector<16xi1>, vector<16xi32>
      %reshape3A_573 = vector.shape_cast %select_n3A_572 : vector<16xi32> to vector<16x1xi32>
      %gather3A_574 = vector.shape_cast %reshape3A_573 : vector<16x1xi32> to vector<16xi32>
      %gather3A_575 = tpu.dynamic_gather %add3A_562[%gather3A_574] in [0] : vector<16xf32>, vector<16xi32> -> vector<16xf32>
      %add3A_576 = arith.addf %add3A_562, %gather3A_575 : vector<16xf32>
      %xor3A_577 = arith.constant 1 : i32
      %xor3A_578 = vector.broadcast %xor3A_577 : i32 to vector<16xi32>
      %xor3A_579 = arith.xori %iota3A, %xor3A_578 : vector<16xi32>
      %lt3A_580 = arith.constant 0 : i32
      %lt3A_581 = vector.broadcast %lt3A_580 : i32 to vector<16xi32>
      %lt3A_582 = arith.cmpi slt, %xor3A_579, %lt3A_581 : vector<16xi32>
      %add3A_583 = arith.constant 16 : i32
      %add3A_584 = vector.broadcast %add3A_583 : i32 to vector<16xi32>
      %add3A_585 = arith.addi %xor3A_579, %add3A_584 : vector<16xi32>
      %select_n3A_586 = arith.select %lt3A_582, %add3A_585, %xor3A_579 : vector<16xi1>, vector<16xi32>
      %reshape3A_587 = vector.shape_cast %select_n3A_586 : vector<16xi32> to vector<16x1xi32>
      %gather3A_588 = vector.shape_cast %reshape3A_587 : vector<16x1xi32> to vector<16xi32>
      %gather3A_589 = tpu.dynamic_gather %add3A_576[%gather3A_588] in [0] : vector<16xf32>, vector<16xi32> -> vector<16xf32>
      %add3A_590 = arith.addf %add3A_576, %gather3A_589 : vector<16xf32>
      %sub3A = vector.broadcast %scan3A_52 : f32 to vector<16xf32>
      %sub3A_591 = arith.subf %sub3A, %add3A_534 : vector<16xf32>
      %mul3A_592 = vector.broadcast %squeeze3A : f32 to vector<16xf32>
      %mul3A_593 = arith.mulf %sub3A_591, %mul3A_592 : vector<16xf32>
      %sub3A_594 = arith.subf %add3A_590, %mul3A_593 : vector<16xf32>
      %div3A_595 = arith.divf %sub3A_594, %add3A_534 : vector<16xf32>
      %add3A_596 = vector.broadcast %squeeze3A_22 : f32 to vector<16xf32>
      %add3A_597 = arith.addf %div3A_595, %add3A_596 : vector<16xf32>
      %broadcast_in_dim3A_598 = vector.broadcast %mul3A_192 : i32 to vector<16xi32>
      tpu.vector_store_idx %arg9[%broadcast_in_dim3A_598], %add3A_597 masked %eq3A_14 : memref<128xf32, #tpu.memory_space<vmem>>[vector<16xi32>], vector<16xf32>, vector<16xi1>
      %add3A_599 = arith.constant 2 : i32
      %add3A_600 = arith.addi %mul3A_192, %add3A_599 : i32
      %rem3A = arith.constant 128 : i32
      %rem3A_601 = arith.remsi %add3A_600, %rem3A : i32
      %dma_start3A_602 = arith.constant 0 : i32
      %dma_start3A_603 = arith.constant 0 : i32
      %dma_start3A_604 = arith.constant 0 : i32
      %dma_start3A_605 = arith.constant 0 : i32
      %dma_start3A_606 = tpu.memref_slice %arg8[%dma_start3A_603, %dma_start3A_604, %dma_start3A_605] : memref<2x2x100xf32, #tpu.memory_space<vmem>> -> memref<1x1x100xf32, #tpu.memory_space<vmem>>
      %dma_start3A_607 = tpu.memref_squeeze %dma_start3A_606 : memref<1x1x100xf32, #tpu.memory_space<vmem>> -> memref<100xf32, #tpu.memory_space<vmem>>
      %dma_start3A_608 = arith.constant 0 : i32
      %dma_start3A_609 = tpu.memref_slice %arg7[%rem3A_601, %dma_start3A_602, %dma_start3A_608] : memref<128x2x100xi32, #tpu.memory_space<vmem>> -> memref<1x1x100xi32, #tpu.memory_space<vmem>>
      %dma_start3A_610 = tpu.memref_squeeze %dma_start3A_609 : memref<1x1x100xi32, #tpu.memory_space<vmem>> -> memref<100xi32, #tpu.memory_space<vmem>>
      %dma_start3A_611 = arith.constant 0 : i32
      %dma_start3A_612 = tpu.memref_slice %arg6[%dma_start3A_611] : memref<1000000xf32, #tpu.memory_space<vmem_shared>> -> memref<1000000xf32, #tpu.memory_space<vmem_shared>>
      tpu.enqueue_indirect_dma source(%dma_start3A_612 : memref<1000000xf32, #tpu.memory_space<vmem_shared>>) target(%dma_start3A_607 : memref<100xf32, #tpu.memory_space<vmem>>) offsets(%dma_start3A_610 : memref<100xi32, #tpu.memory_space<vmem>>) semaphore(%arg12 : memref<!tpu.dma_semaphore, #tpu.memory_space<semaphore_mem>>)
      %dma_start3A_613 = arith.constant 1 : i32
      %dma_start3A_614 = arith.constant 0 : i32
      %dma_start3A_615 = arith.constant 1 : i32
      %dma_start3A_616 = arith.constant 0 : i32
      %dma_start3A_617 = tpu.memref_slice %arg8[%dma_start3A_614, %dma_start3A_615, %dma_start3A_616] : memref<2x2x100xf32, #tpu.memory_space<vmem>> -> memref<1x1x100xf32, #tpu.memory_space<vmem>>
      %dma_start3A_618 = tpu.memref_squeeze %dma_start3A_617 : memref<1x1x100xf32, #tpu.memory_space<vmem>> -> memref<100xf32, #tpu.memory_space<vmem>>
      %dma_start3A_619 = arith.constant 0 : i32
      %dma_start3A_620 = tpu.memref_slice %arg7[%rem3A_601, %dma_start3A_613, %dma_start3A_619] : memref<128x2x100xi32, #tpu.memory_space<vmem>> -> memref<1x1x100xi32, #tpu.memory_space<vmem>>
      %dma_start3A_621 = tpu.memref_squeeze %dma_start3A_620 : memref<1x1x100xi32, #tpu.memory_space<vmem>> -> memref<100xi32, #tpu.memory_space<vmem>>
      %dma_start3A_622 = arith.constant 0 : i32
      %dma_start3A_623 = tpu.memref_slice %arg6[%dma_start3A_622] : memref<1000000xf32, #tpu.memory_space<vmem_shared>> -> memref<1000000xf32, #tpu.memory_space<vmem_shared>>
      tpu.enqueue_indirect_dma source(%dma_start3A_623 : memref<1000000xf32, #tpu.memory_space<vmem_shared>>) target(%dma_start3A_618 : memref<100xf32, #tpu.memory_space<vmem>>) offsets(%dma_start3A_621 : memref<100xi32, #tpu.memory_space<vmem>>) semaphore(%arg12 : memref<!tpu.dma_semaphore, #tpu.memory_space<semaphore_mem>>)
      %dma_wait3A_624 = arith.constant 0 : i32
      %dma_wait3A_625 = arith.constant 1 : i32
      %dma_wait3A_626 = arith.constant 0 : i32
      %dma_wait3A_627 = arith.constant 0 : i32
      %dma_wait3A_628 = tpu.memref_slice %arg8[%dma_wait3A_625, %dma_wait3A_626, %dma_wait3A_627] : memref<2x2x100xf32, #tpu.memory_space<vmem>> -> memref<1x1x100xf32, #tpu.memory_space<vmem>>
      %dma_wait3A_629 = tpu.memref_squeeze %dma_wait3A_628 : memref<1x1x100xf32, #tpu.memory_space<vmem>> -> memref<100xf32, #tpu.memory_space<vmem>>
      %dma_wait3A_630 = arith.constant 0 : i32
      %dma_wait3A_631 = tpu.memref_slice %arg7[%add3A_194, %dma_wait3A_624, %dma_wait3A_630] : memref<128x2x100xi32, #tpu.memory_space<vmem>> -> memref<1x1x100xi32, #tpu.memory_space<vmem>>
      %dma_wait3A_632 = tpu.memref_squeeze %dma_wait3A_631 : memref<1x1x100xi32, #tpu.memory_space<vmem>> -> memref<100xi32, #tpu.memory_space<vmem>>
      %dma_wait3A_633 = arith.constant 0 : i32
      %dma_wait3A_634 = tpu.memref_slice %arg6[%dma_wait3A_633] : memref<1000000xf32, #tpu.memory_space<vmem_shared>> -> memref<1000000xf32, #tpu.memory_space<vmem_shared>>
      tpu.wait_indirect_dma semaphore(%arg13 : memref<!tpu.dma_semaphore, #tpu.memory_space<semaphore_mem>>) src(%dma_wait3A_634 : memref<1000000xf32, #tpu.memory_space<vmem_shared>>) dst(%dma_wait3A_629 : memref<100xf32, #tpu.memory_space<vmem>>)
      %dma_wait3A_635 = arith.constant 1 : i32
      %dma_wait3A_636 = arith.constant 1 : i32
      %dma_wait3A_637 = arith.constant 1 : i32
      %dma_wait3A_638 = arith.constant 0 : i32
      %dma_wait3A_639 = tpu.memref_slice %arg8[%dma_wait3A_636, %dma_wait3A_637, %dma_wait3A_638] : memref<2x2x100xf32, #tpu.memory_space<vmem>> -> memref<1x1x100xf32, #tpu.memory_space<vmem>>
      %dma_wait3A_640 = tpu.memref_squeeze %dma_wait3A_639 : memref<1x1x100xf32, #tpu.memory_space<vmem>> -> memref<100xf32, #tpu.memory_space<vmem>>
      %dma_wait3A_641 = arith.constant 0 : i32
      %dma_wait3A_642 = tpu.memref_slice %arg7[%add3A_194, %dma_wait3A_635, %dma_wait3A_641] : memref<128x2x100xi32, #tpu.memory_space<vmem>> -> memref<1x1x100xi32, #tpu.memory_space<vmem>>
      %dma_wait3A_643 = tpu.memref_squeeze %dma_wait3A_642 : memref<1x1x100xi32, #tpu.memory_space<vmem>> -> memref<100xi32, #tpu.memory_space<vmem>>
      %dma_wait3A_644 = arith.constant 0 : i32
      %dma_wait3A_645 = tpu.memref_slice %arg6[%dma_wait3A_644] : memref<1000000xf32, #tpu.memory_space<vmem_shared>> -> memref<1000000xf32, #tpu.memory_space<vmem_shared>>
      tpu.wait_indirect_dma semaphore(%arg13 : memref<!tpu.dma_semaphore, #tpu.memory_space<semaphore_mem>>) src(%dma_wait3A_645 : memref<1000000xf32, #tpu.memory_space<vmem_shared>>) dst(%dma_wait3A_640 : memref<100xf32, #tpu.memory_space<vmem>>)
      %get3A_646 = arith.constant 1 : i32
      %get3A_647 = arith.constant 0 : i32
      %get3A_648 = arith.index_cast %get3A_646 : i32 to index
      %get3A_649 = arith.index_cast %get3A_647 : i32 to index
      %get3A_650 = arith.constant 0 : index
      %get3A_651 = tpu.vector_load %arg8[%get3A_648, %get3A_649, %get3A_650] {strides = array<i32>} : memref<2x2x100xf32, #tpu.memory_space<vmem>>, vector<16xf32>,
      %add3A_652 = arith.addf %broadcast_in_dim3A_15, %get3A_651 : vector<16xf32>
      %get3A_653 = arith.constant 0 : i32
      %get3A_654 = arith.index_cast %add3A_194 : i32 to index
      %get3A_655 = arith.index_cast %get3A_653 : i32 to index
      %get3A_656 = arith.constant 0 : index
      %get3A_657 = tpu.vector_load %arg7[%get3A_654, %get3A_655, %get3A_656] {strides = array<i32>} : memref<128x2x100xi32, #tpu.memory_space<vmem>>, vector<16xi32>,
      %ne3A_658 = arith.constant 0 : i32
      %ne3A_659 = vector.broadcast %ne3A_658 : i32 to vector<16xi32>
      %ne3A_660 = arith.cmpi ne, %get3A_657, %ne3A_659 : vector<16xi32>
      %select_n3A_661 = arith.select %ne3A_660, %broadcast_in_dim3A_17, %broadcast_in_dim3A_15 : vector<16xi1>, vector<16xf32>
      %add3A_662 = arith.addf %broadcast_in_dim3A_15, %select_n3A_661 : vector<16xf32>
      %get3A_663 = arith.constant 1 : i32
      %get3A_664 = arith.constant 0 : i32
      %get3A_665 = arith.index_cast %get3A_663 : i32 to index
      %get3A_666 = arith.index_cast %get3A_664 : i32 to index
      %get3A_667 = arith.constant 16 : index
      %get3A_668 = tpu.vector_load %arg8[%get3A_665, %get3A_666, %get3A_667] {strides = array<i32>} : memref<2x2x100xf32, #tpu.memory_space<vmem>>, vector<16xf32>,
      %add3A_669 = arith.addf %add3A_652, %get3A_668 : vector<16xf32>
      %get3A_670 = arith.constant 0 : i32
      %get3A_671 = arith.index_cast %add3A_194 : i32 to index
      %get3A_672 = arith.index_cast %get3A_670 : i32 to index
      %get3A_673 = arith.constant 16 : index
      %get3A_674 = tpu.vector_load %arg7[%get3A_671, %get3A_672, %get3A_673] {strides = array<i32>} : memref<128x2x100xi32, #tpu.memory_space<vmem>>, vector<16xi32>,
      %ne3A_675 = arith.constant 0 : i32
      %ne3A_676 = vector.broadcast %ne3A_675 : i32 to vector<16xi32>
      %ne3A_677 = arith.cmpi ne, %get3A_674, %ne3A_676 : vector<16xi32>
      %select_n3A_678 = arith.select %ne3A_677, %broadcast_in_dim3A_17, %broadcast_in_dim3A_15 : vector<16xi1>, vector<16xf32>
      %add3A_679 = arith.addf %add3A_662, %select_n3A_678 : vector<16xf32>
      %get3A_680 = arith.constant 1 : i32
      %get3A_681 = arith.constant 0 : i32
      %get3A_682 = arith.index_cast %get3A_680 : i32 to index
      %get3A_683 = arith.index_cast %get3A_681 : i32 to index
      %get3A_684 = arith.constant 32 : index
      %get3A_685 = tpu.vector_load %arg8[%get3A_682, %get3A_683, %get3A_684] {strides = array<i32>} : memref<2x2x100xf32, #tpu.memory_space<vmem>>, vector<16xf32>,
      %add3A_686 = arith.addf %add3A_669, %get3A_685 : vector<16xf32>
      %get3A_687 = arith.constant 0 : i32
      %get3A_688 = arith.index_cast %add3A_194 : i32 to index
      %get3A_689 = arith.index_cast %get3A_687 : i32 to index
      %get3A_690 = arith.constant 32 : index
      %get3A_691 = tpu.vector_load %arg7[%get3A_688, %get3A_689, %get3A_690] {strides = array<i32>} : memref<128x2x100xi32, #tpu.memory_space<vmem>>, vector<16xi32>,
      %ne3A_692 = arith.constant 0 : i32
      %ne3A_693 = vector.broadcast %ne3A_692 : i32 to vector<16xi32>
      %ne3A_694 = arith.cmpi ne, %get3A_691, %ne3A_693 : vector<16xi32>
      %select_n3A_695 = arith.select %ne3A_694, %broadcast_in_dim3A_17, %broadcast_in_dim3A_15 : vector<16xi1>, vector<16xf32>
      %add3A_696 = arith.addf %add3A_679, %select_n3A_695 : vector<16xf32>
      %get3A_697 = arith.constant 1 : i32
      %get3A_698 = arith.constant 0 : i32
      %get3A_699 = arith.index_cast %get3A_697 : i32 to index
      %get3A_700 = arith.index_cast %get3A_698 : i32 to index
      %get3A_701 = arith.constant 48 : index
      %get3A_702 = tpu.vector_load %arg8[%get3A_699, %get3A_700, %get3A_701] {strides = array<i32>} : memref<2x2x100xf32, #tpu.memory_space<vmem>>, vector<16xf32>,
      %add3A_703 = arith.addf %add3A_686, %get3A_702 : vector<16xf32>
      %get3A_704 = arith.constant 0 : i32
      %get3A_705 = arith.index_cast %add3A_194 : i32 to index
      %get3A_706 = arith.index_cast %get3A_704 : i32 to index
      %get3A_707 = arith.constant 48 : index
      %get3A_708 = tpu.vector_load %arg7[%get3A_705, %get3A_706, %get3A_707] {strides = array<i32>} : memref<128x2x100xi32, #tpu.memory_space<vmem>>, vector<16xi32>,
      %ne3A_709 = arith.constant 0 : i32
      %ne3A_710 = vector.broadcast %ne3A_709 : i32 to vector<16xi32>
      %ne3A_711 = arith.cmpi ne, %get3A_708, %ne3A_710 : vector<16xi32>
      %select_n3A_712 = arith.select %ne3A_711, %broadcast_in_dim3A_17, %broadcast_in_dim3A_15 : vector<16xi1>, vector<16xf32>
      %add3A_713 = arith.addf %add3A_696, %select_n3A_712 : vector<16xf32>
      %get3A_714 = arith.constant 1 : i32
      %get3A_715 = arith.constant 0 : i32
      %get3A_716 = arith.index_cast %get3A_714 : i32 to index
      %get3A_717 = arith.index_cast %get3A_715 : i32 to index
      %get3A_718 = arith.constant 64 : index
      %get3A_719 = tpu.vector_load %arg8[%get3A_716, %get3A_717, %get3A_718] {strides = array<i32>} : memref<2x2x100xf32, #tpu.memory_space<vmem>>, vector<16xf32>,
      %add3A_720 = arith.addf %add3A_703, %get3A_719 : vector<16xf32>
      %get3A_721 = arith.constant 0 : i32
      %get3A_722 = arith.index_cast %add3A_194 : i32 to index
      %get3A_723 = arith.index_cast %get3A_721 : i32 to index
      %get3A_724 = arith.constant 64 : index
      %get3A_725 = tpu.vector_load %arg7[%get3A_722, %get3A_723, %get3A_724] {strides = array<i32>} : memref<128x2x100xi32, #tpu.memory_space<vmem>>, vector<16xi32>,
      %ne3A_726 = arith.constant 0 : i32
      %ne3A_727 = vector.broadcast %ne3A_726 : i32 to vector<16xi32>
      %ne3A_728 = arith.cmpi ne, %get3A_725, %ne3A_727 : vector<16xi32>
      %select_n3A_729 = arith.select %ne3A_728, %broadcast_in_dim3A_17, %broadcast_in_dim3A_15 : vector<16xi1>, vector<16xf32>
      %add3A_730 = arith.addf %add3A_713, %select_n3A_729 : vector<16xf32>
      %get3A_731 = arith.constant 1 : i32
      %get3A_732 = arith.constant 0 : i32
      %get3A_733 = arith.index_cast %get3A_731 : i32 to index
      %get3A_734 = arith.index_cast %get3A_732 : i32 to index
      %get3A_735 = arith.constant 80 : index
      %get3A_736 = tpu.vector_load %arg8[%get3A_733, %get3A_734, %get3A_735] {strides = array<i32>} : memref<2x2x100xf32, #tpu.memory_space<vmem>>, vector<16xf32>,
      %add3A_737 = arith.addf %add3A_720, %get3A_736 : vector<16xf32>
      %get3A_738 = arith.constant 0 : i32
      %get3A_739 = arith.index_cast %add3A_194 : i32 to index
      %get3A_740 = arith.index_cast %get3A_738 : i32 to index
      %get3A_741 = arith.constant 80 : index
      %get3A_742 = tpu.vector_load %arg7[%get3A_739, %get3A_740, %get3A_741] {strides = array<i32>} : memref<128x2x100xi32, #tpu.memory_space<vmem>>, vector<16xi32>,
      %ne3A_743 = arith.constant 0 : i32
      %ne3A_744 = vector.broadcast %ne3A_743 : i32 to vector<16xi32>
      %ne3A_745 = arith.cmpi ne, %get3A_742, %ne3A_744 : vector<16xi32>
      %select_n3A_746 = arith.select %ne3A_745, %broadcast_in_dim3A_17, %broadcast_in_dim3A_15 : vector<16xi1>, vector<16xf32>
      %add3A_747 = arith.addf %add3A_730, %select_n3A_746 : vector<16xf32>
      %ge3A_748 = arith.constant 12 : i32
      %ge3A_749 = vector.broadcast %ge3A_748 : i32 to vector<16xi32>
      %ge3A_750 = arith.cmpi sge, %iota3A, %ge3A_749 : vector<16xi32>
      %get3A_751 = arith.constant 1 : i32
      %get3A_752 = arith.constant 0 : i32
      %get3A_753 = arith.index_cast %get3A_751 : i32 to index
      %get3A_754 = arith.index_cast %get3A_752 : i32 to index
      %get3A_755 = arith.constant 84 : index
      %get3A_756 = tpu.vector_load %arg8[%get3A_753, %get3A_754, %get3A_755] {strides = array<i32>} : memref<2x2x100xf32, #tpu.memory_space<vmem>>, vector<16xf32>,
      %select_n3A_757 = arith.select %ge3A_750, %get3A_756, %broadcast_in_dim3A_15 : vector<16xi1>, vector<16xf32>
      %add3A_758 = arith.addf %add3A_737, %select_n3A_757 : vector<16xf32>
      %get3A_759 = arith.constant 0 : i32
      %get3A_760 = arith.index_cast %add3A_194 : i32 to index
      %get3A_761 = arith.index_cast %get3A_759 : i32 to index
      %get3A_762 = arith.constant 84 : index
      %get3A_763 = tpu.vector_load %arg7[%get3A_760, %get3A_761, %get3A_762] {strides = array<i32>} : memref<128x2x100xi32, #tpu.memory_space<vmem>>, vector<16xi32>,
      %ne3A_764 = arith.constant 0 : i32
      %ne3A_765 = vector.broadcast %ne3A_764 : i32 to vector<16xi32>
      %ne3A_766 = arith.cmpi ne, %get3A_763, %ne3A_765 : vector<16xi32>
      %and3A_767 = arith.andi %ne3A_766, %ge3A_750 : vector<16xi1>
      %select_n3A_768 = arith.select %and3A_767, %broadcast_in_dim3A_17, %broadcast_in_dim3A_15 : vector<16xi1>, vector<16xf32>
      %add3A_769 = arith.addf %add3A_747, %select_n3A_768 : vector<16xf32>
      %get3A_770 = arith.constant 1 : i32
      %get3A_771 = arith.constant 1 : i32
      %get3A_772 = arith.index_cast %get3A_770 : i32 to index
      %get3A_773 = arith.index_cast %get3A_771 : i32 to index
      %get3A_774 = arith.constant 0 : index
      %get3A_775 = tpu.vector_load %arg8[%get3A_772, %get3A_773, %get3A_774] {strides = array<i32>} : memref<2x2x100xf32, #tpu.memory_space<vmem>>, vector<16xf32>,
      %add3A_776 = arith.addf %add3A_758, %get3A_775 : vector<16xf32>
      %get3A_777 = arith.constant 1 : i32
      %get3A_778 = arith.index_cast %add3A_194 : i32 to index
      %get3A_779 = arith.index_cast %get3A_777 : i32 to index
      %get3A_780 = arith.constant 0 : index
      %get3A_781 = tpu.vector_load %arg7[%get3A_778, %get3A_779, %get3A_780] {strides = array<i32>} : memref<128x2x100xi32, #tpu.memory_space<vmem>>, vector<16xi32>,
      %ne3A_782 = arith.constant 0 : i32
      %ne3A_783 = vector.broadcast %ne3A_782 : i32 to vector<16xi32>
      %ne3A_784 = arith.cmpi ne, %get3A_781, %ne3A_783 : vector<16xi32>
      %select_n3A_785 = arith.select %ne3A_784, %broadcast_in_dim3A_17, %broadcast_in_dim3A_15 : vector<16xi1>, vector<16xf32>
      %add3A_786 = arith.addf %add3A_769, %select_n3A_785 : vector<16xf32>
      %get3A_787 = arith.constant 1 : i32
      %get3A_788 = arith.constant 1 : i32
      %get3A_789 = arith.index_cast %get3A_787 : i32 to index
      %get3A_790 = arith.index_cast %get3A_788 : i32 to index
      %get3A_791 = arith.constant 16 : index
      %get3A_792 = tpu.vector_load %arg8[%get3A_789, %get3A_790, %get3A_791] {strides = array<i32>} : memref<2x2x100xf32, #tpu.memory_space<vmem>>, vector<16xf32>,
      %add3A_793 = arith.addf %add3A_776, %get3A_792 : vector<16xf32>
      %get3A_794 = arith.constant 1 : i32
      %get3A_795 = arith.index_cast %add3A_194 : i32 to index
      %get3A_796 = arith.index_cast %get3A_794 : i32 to index
      %get3A_797 = arith.constant 16 : index
      %get3A_798 = tpu.vector_load %arg7[%get3A_795, %get3A_796, %get3A_797] {strides = array<i32>} : memref<128x2x100xi32, #tpu.memory_space<vmem>>, vector<16xi32>,
      %ne3A_799 = arith.constant 0 : i32
      %ne3A_800 = vector.broadcast %ne3A_799 : i32 to vector<16xi32>
      %ne3A_801 = arith.cmpi ne, %get3A_798, %ne3A_800 : vector<16xi32>
      %select_n3A_802 = arith.select %ne3A_801, %broadcast_in_dim3A_17, %broadcast_in_dim3A_15 : vector<16xi1>, vector<16xf32>
      %add3A_803 = arith.addf %add3A_786, %select_n3A_802 : vector<16xf32>
      %get3A_804 = arith.constant 1 : i32
      %get3A_805 = arith.constant 1 : i32
      %get3A_806 = arith.index_cast %get3A_804 : i32 to index
      %get3A_807 = arith.index_cast %get3A_805 : i32 to index
      %get3A_808 = arith.constant 32 : index
      %get3A_809 = tpu.vector_load %arg8[%get3A_806, %get3A_807, %get3A_808] {strides = array<i32>} : memref<2x2x100xf32, #tpu.memory_space<vmem>>, vector<16xf32>,
      %add3A_810 = arith.addf %add3A_793, %get3A_809 : vector<16xf32>
      %get3A_811 = arith.constant 1 : i32
      %get3A_812 = arith.index_cast %add3A_194 : i32 to index
      %get3A_813 = arith.index_cast %get3A_811 : i32 to index
      %get3A_814 = arith.constant 32 : index
      %get3A_815 = tpu.vector_load %arg7[%get3A_812, %get3A_813, %get3A_814] {strides = array<i32>} : memref<128x2x100xi32, #tpu.memory_space<vmem>>, vector<16xi32>,
      %ne3A_816 = arith.constant 0 : i32
      %ne3A_817 = vector.broadcast %ne3A_816 : i32 to vector<16xi32>
      %ne3A_818 = arith.cmpi ne, %get3A_815, %ne3A_817 : vector<16xi32>
      %select_n3A_819 = arith.select %ne3A_818, %broadcast_in_dim3A_17, %broadcast_in_dim3A_15 : vector<16xi1>, vector<16xf32>
      %add3A_820 = arith.addf %add3A_803, %select_n3A_819 : vector<16xf32>
      %get3A_821 = arith.constant 1 : i32
      %get3A_822 = arith.constant 1 : i32
      %get3A_823 = arith.index_cast %get3A_821 : i32 to index
      %get3A_824 = arith.index_cast %get3A_822 : i32 to index
      %get3A_825 = arith.constant 48 : index
      %get3A_826 = tpu.vector_load %arg8[%get3A_823, %get3A_824, %get3A_825] {strides = array<i32>} : memref<2x2x100xf32, #tpu.memory_space<vmem>>, vector<16xf32>,
      %add3A_827 = arith.addf %add3A_810, %get3A_826 : vector<16xf32>
      %get3A_828 = arith.constant 1 : i32
      %get3A_829 = arith.index_cast %add3A_194 : i32 to index
      %get3A_830 = arith.index_cast %get3A_828 : i32 to index
      %get3A_831 = arith.constant 48 : index
      %get3A_832 = tpu.vector_load %arg7[%get3A_829, %get3A_830, %get3A_831] {strides = array<i32>} : memref<128x2x100xi32, #tpu.memory_space<vmem>>, vector<16xi32>,
      %ne3A_833 = arith.constant 0 : i32
      %ne3A_834 = vector.broadcast %ne3A_833 : i32 to vector<16xi32>
      %ne3A_835 = arith.cmpi ne, %get3A_832, %ne3A_834 : vector<16xi32>
      %select_n3A_836 = arith.select %ne3A_835, %broadcast_in_dim3A_17, %broadcast_in_dim3A_15 : vector<16xi1>, vector<16xf32>
      %add3A_837 = arith.addf %add3A_820, %select_n3A_836 : vector<16xf32>
      %get3A_838 = arith.constant 1 : i32
      %get3A_839 = arith.constant 1 : i32
      %get3A_840 = arith.index_cast %get3A_838 : i32 to index
      %get3A_841 = arith.index_cast %get3A_839 : i32 to index
      %get3A_842 = arith.constant 64 : index
      %get3A_843 = tpu.vector_load %arg8[%get3A_840, %get3A_841, %get3A_842] {strides = array<i32>} : memref<2x2x100xf32, #tpu.memory_space<vmem>>, vector<16xf32>,
      %add3A_844 = arith.addf %add3A_827, %get3A_843 : vector<16xf32>
      %get3A_845 = arith.constant 1 : i32
      %get3A_846 = arith.index_cast %add3A_194 : i32 to index
      %get3A_847 = arith.index_cast %get3A_845 : i32 to index
      %get3A_848 = arith.constant 64 : index
      %get3A_849 = tpu.vector_load %arg7[%get3A_846, %get3A_847, %get3A_848] {strides = array<i32>} : memref<128x2x100xi32, #tpu.memory_space<vmem>>, vector<16xi32>,
      %ne3A_850 = arith.constant 0 : i32
      %ne3A_851 = vector.broadcast %ne3A_850 : i32 to vector<16xi32>
      %ne3A_852 = arith.cmpi ne, %get3A_849, %ne3A_851 : vector<16xi32>
      %select_n3A_853 = arith.select %ne3A_852, %broadcast_in_dim3A_17, %broadcast_in_dim3A_15 : vector<16xi1>, vector<16xf32>
      %add3A_854 = arith.addf %add3A_837, %select_n3A_853 : vector<16xf32>
      %get3A_855 = arith.constant 1 : i32
      %get3A_856 = arith.constant 1 : i32
      %get3A_857 = arith.index_cast %get3A_855 : i32 to index
      %get3A_858 = arith.index_cast %get3A_856 : i32 to index
      %get3A_859 = arith.constant 80 : index
      %get3A_860 = tpu.vector_load %arg8[%get3A_857, %get3A_858, %get3A_859] {strides = array<i32>} : memref<2x2x100xf32, #tpu.memory_space<vmem>>, vector<16xf32>,
      %add3A_861 = arith.addf %add3A_844, %get3A_860 : vector<16xf32>
      %get3A_862 = arith.constant 1 : i32
      %get3A_863 = arith.index_cast %add3A_194 : i32 to index
      %get3A_864 = arith.index_cast %get3A_862 : i32 to index
      %get3A_865 = arith.constant 80 : index
      %get3A_866 = tpu.vector_load %arg7[%get3A_863, %get3A_864, %get3A_865] {strides = array<i32>} : memref<128x2x100xi32, #tpu.memory_space<vmem>>, vector<16xi32>,
      %ne3A_867 = arith.constant 0 : i32
      %ne3A_868 = vector.broadcast %ne3A_867 : i32 to vector<16xi32>
      %ne3A_869 = arith.cmpi ne, %get3A_866, %ne3A_868 : vector<16xi32>
      %select_n3A_870 = arith.select %ne3A_869, %broadcast_in_dim3A_17, %broadcast_in_dim3A_15 : vector<16xi1>, vector<16xf32>
      %add3A_871 = arith.addf %add3A_854, %select_n3A_870 : vector<16xf32>
      %ge3A_872 = arith.constant 12 : i32
      %ge3A_873 = vector.broadcast %ge3A_872 : i32 to vector<16xi32>
      %ge3A_874 = arith.cmpi sge, %iota3A, %ge3A_873 : vector<16xi32>
      %get3A_875 = arith.constant 1 : i32
      %get3A_876 = arith.constant 1 : i32
      %get3A_877 = arith.index_cast %get3A_875 : i32 to index
      %get3A_878 = arith.index_cast %get3A_876 : i32 to index
      %get3A_879 = arith.constant 84 : index
      %get3A_880 = tpu.vector_load %arg8[%get3A_877, %get3A_878, %get3A_879] {strides = array<i32>} : memref<2x2x100xf32, #tpu.memory_space<vmem>>, vector<16xf32>,
      %select_n3A_881 = arith.select %ge3A_874, %get3A_880, %broadcast_in_dim3A_15 : vector<16xi1>, vector<16xf32>
      %add3A_882 = arith.addf %add3A_861, %select_n3A_881 : vector<16xf32>
      %get3A_883 = arith.constant 1 : i32
      %get3A_884 = arith.index_cast %add3A_194 : i32 to index
      %get3A_885 = arith.index_cast %get3A_883 : i32 to index
      %get3A_886 = arith.constant 84 : index
      %get3A_887 = tpu.vector_load %arg7[%get3A_884, %get3A_885, %get3A_886] {strides = array<i32>} : memref<128x2x100xi32, #tpu.memory_space<vmem>>, vector<16xi32>,
      %ne3A_888 = arith.constant 0 : i32
      %ne3A_889 = vector.broadcast %ne3A_888 : i32 to vector<16xi32>
      %ne3A_890 = arith.cmpi ne, %get3A_887, %ne3A_889 : vector<16xi32>
      %and3A_891 = arith.andi %ne3A_890, %ge3A_874 : vector<16xi1>
      %select_n3A_892 = arith.select %and3A_891, %broadcast_in_dim3A_17, %broadcast_in_dim3A_15 : vector<16xi1>, vector<16xf32>
      %add3A_893 = arith.addf %add3A_871, %select_n3A_892 : vector<16xf32>
      %xor3A_894 = arith.constant 8 : i32
      %xor3A_895 = vector.broadcast %xor3A_894 : i32 to vector<16xi32>
      %xor3A_896 = arith.xori %iota3A, %xor3A_895 : vector<16xi32>
      %lt3A_897 = arith.constant 0 : i32
      %lt3A_898 = vector.broadcast %lt3A_897 : i32 to vector<16xi32>
      %lt3A_899 = arith.cmpi slt, %xor3A_896, %lt3A_898 : vector<16xi32>
      %add3A_900 = arith.constant 16 : i32
      %add3A_901 = vector.broadcast %add3A_900 : i32 to vector<16xi32>
      %add3A_902 = arith.addi %xor3A_896, %add3A_901 : vector<16xi32>
      %select_n3A_903 = arith.select %lt3A_899, %add3A_902, %xor3A_896 : vector<16xi1>, vector<16xi32>
      %reshape3A_904 = vector.shape_cast %select_n3A_903 : vector<16xi32> to vector<16x1xi32>
      %gather3A_905 = vector.shape_cast %reshape3A_904 : vector<16x1xi32> to vector<16xi32>
      %gather3A_906 = tpu.dynamic_gather %add3A_893[%gather3A_905] in [0] : vector<16xf32>, vector<16xi32> -> vector<16xf32>
      %add3A_907 = arith.addf %add3A_893, %gather3A_906 : vector<16xf32>
      %xor3A_908 = arith.constant 4 : i32
      %xor3A_909 = vector.broadcast %xor3A_908 : i32 to vector<16xi32>
      %xor3A_910 = arith.xori %iota3A, %xor3A_909 : vector<16xi32>
      %lt3A_911 = arith.constant 0 : i32
      %lt3A_912 = vector.broadcast %lt3A_911 : i32 to vector<16xi32>
      %lt3A_913 = arith.cmpi slt, %xor3A_910, %lt3A_912 : vector<16xi32>
      %add3A_914 = arith.constant 16 : i32
      %add3A_915 = vector.broadcast %add3A_914 : i32 to vector<16xi32>
      %add3A_916 = arith.addi %xor3A_910, %add3A_915 : vector<16xi32>
      %select_n3A_917 = arith.select %lt3A_913, %add3A_916, %xor3A_910 : vector<16xi1>, vector<16xi32>
      %reshape3A_918 = vector.shape_cast %select_n3A_917 : vector<16xi32> to vector<16x1xi32>
      %gather3A_919 = vector.shape_cast %reshape3A_918 : vector<16x1xi32> to vector<16xi32>
      %gather3A_920 = tpu.dynamic_gather %add3A_907[%gather3A_919] in [0] : vector<16xf32>, vector<16xi32> -> vector<16xf32>
      %add3A_921 = arith.addf %add3A_907, %gather3A_920 : vector<16xf32>
      %xor3A_922 = arith.constant 2 : i32
      %xor3A_923 = vector.broadcast %xor3A_922 : i32 to vector<16xi32>
      %xor3A_924 = arith.xori %iota3A, %xor3A_923 : vector<16xi32>
      %lt3A_925 = arith.constant 0 : i32
      %lt3A_926 = vector.broadcast %lt3A_925 : i32 to vector<16xi32>
      %lt3A_927 = arith.cmpi slt, %xor3A_924, %lt3A_926 : vector<16xi32>
      %add3A_928 = arith.constant 16 : i32
      %add3A_929 = vector.broadcast %add3A_928 : i32 to vector<16xi32>
      %add3A_930 = arith.addi %xor3A_924, %add3A_929 : vector<16xi32>
      %select_n3A_931 = arith.select %lt3A_927, %add3A_930, %xor3A_924 : vector<16xi1>, vector<16xi32>
      %reshape3A_932 = vector.shape_cast %select_n3A_931 : vector<16xi32> to vector<16x1xi32>
      %gather3A_933 = vector.shape_cast %reshape3A_932 : vector<16x1xi32> to vector<16xi32>
      %gather3A_934 = tpu.dynamic_gather %add3A_921[%gather3A_933] in [0] : vector<16xf32>, vector<16xi32> -> vector<16xf32>
      %add3A_935 = arith.addf %add3A_921, %gather3A_934 : vector<16xf32>
      %xor3A_936 = arith.constant 1 : i32
      %xor3A_937 = vector.broadcast %xor3A_936 : i32 to vector<16xi32>
      %xor3A_938 = arith.xori %iota3A, %xor3A_937 : vector<16xi32>
      %lt3A_939 = arith.constant 0 : i32
      %lt3A_940 = vector.broadcast %lt3A_939 : i32 to vector<16xi32>
      %lt3A_941 = arith.cmpi slt, %xor3A_938, %lt3A_940 : vector<16xi32>
      %add3A_942 = arith.constant 16 : i32
      %add3A_943 = vector.broadcast %add3A_942 : i32 to vector<16xi32>
      %add3A_944 = arith.addi %xor3A_938, %add3A_943 : vector<16xi32>
      %select_n3A_945 = arith.select %lt3A_941, %add3A_944, %xor3A_938 : vector<16xi1>, vector<16xi32>
      %reshape3A_946 = vector.shape_cast %select_n3A_945 : vector<16xi32> to vector<16x1xi32>
      %gather3A_947 = vector.shape_cast %reshape3A_946 : vector<16x1xi32> to vector<16xi32>
      %gather3A_948 = tpu.dynamic_gather %add3A_935[%gather3A_947] in [0] : vector<16xf32>, vector<16xi32> -> vector<16xf32>
      %add3A_949 = arith.addf %add3A_935, %gather3A_948 : vector<16xf32>
      %xor3A_950 = arith.constant 8 : i32
      %xor3A_951 = vector.broadcast %xor3A_950 : i32 to vector<16xi32>
      %xor3A_952 = arith.xori %iota3A, %xor3A_951 : vector<16xi32>
      %lt3A_953 = arith.constant 0 : i32
      %lt3A_954 = vector.broadcast %lt3A_953 : i32 to vector<16xi32>
      %lt3A_955 = arith.cmpi slt, %xor3A_952, %lt3A_954 : vector<16xi32>
      %add3A_956 = arith.constant 16 : i32
      %add3A_957 = vector.broadcast %add3A_956 : i32 to vector<16xi32>
      %add3A_958 = arith.addi %xor3A_952, %add3A_957 : vector<16xi32>
      %select_n3A_959 = arith.select %lt3A_955, %add3A_958, %xor3A_952 : vector<16xi1>, vector<16xi32>
      %reshape3A_960 = vector.shape_cast %select_n3A_959 : vector<16xi32> to vector<16x1xi32>
      %gather3A_961 = vector.shape_cast %reshape3A_960 : vector<16x1xi32> to vector<16xi32>
      %gather3A_962 = tpu.dynamic_gather %add3A_882[%gather3A_961] in [0] : vector<16xf32>, vector<16xi32> -> vector<16xf32>
      %add3A_963 = arith.addf %add3A_882, %gather3A_962 : vector<16xf32>
      %xor3A_964 = arith.constant 4 : i32
      %xor3A_965 = vector.broadcast %xor3A_964 : i32 to vector<16xi32>
      %xor3A_966 = arith.xori %iota3A, %xor3A_965 : vector<16xi32>
      %lt3A_967 = arith.constant 0 : i32
      %lt3A_968 = vector.broadcast %lt3A_967 : i32 to vector<16xi32>
      %lt3A_969 = arith.cmpi slt, %xor3A_966, %lt3A_968 : vector<16xi32>
      %add3A_970 = arith.constant 16 : i32
      %add3A_971 = vector.broadcast %add3A_970 : i32 to vector<16xi32>
      %add3A_972 = arith.addi %xor3A_966, %add3A_971 : vector<16xi32>
      %select_n3A_973 = arith.select %lt3A_969, %add3A_972, %xor3A_966 : vector<16xi1>, vector<16xi32>
      %reshape3A_974 = vector.shape_cast %select_n3A_973 : vector<16xi32> to vector<16x1xi32>
      %gather3A_975 = vector.shape_cast %reshape3A_974 : vector<16x1xi32> to vector<16xi32>
      %gather3A_976 = tpu.dynamic_gather %add3A_963[%gather3A_975] in [0] : vector<16xf32>, vector<16xi32> -> vector<16xf32>
      %add3A_977 = arith.addf %add3A_963, %gather3A_976 : vector<16xf32>
      %xor3A_978 = arith.constant 2 : i32
      %xor3A_979 = vector.broadcast %xor3A_978 : i32 to vector<16xi32>
      %xor3A_980 = arith.xori %iota3A, %xor3A_979 : vector<16xi32>
      %lt3A_981 = arith.constant 0 : i32
      %lt3A_982 = vector.broadcast %lt3A_981 : i32 to vector<16xi32>
      %lt3A_983 = arith.cmpi slt, %xor3A_980, %lt3A_982 : vector<16xi32>
      %add3A_984 = arith.constant 16 : i32
      %add3A_985 = vector.broadcast %add3A_984 : i32 to vector<16xi32>
      %add3A_986 = arith.addi %xor3A_980, %add3A_985 : vector<16xi32>
      %select_n3A_987 = arith.select %lt3A_983, %add3A_986, %xor3A_980 : vector<16xi1>, vector<16xi32>
      %reshape3A_988 = vector.shape_cast %select_n3A_987 : vector<16xi32> to vector<16x1xi32>
      %gather3A_989 = vector.shape_cast %reshape3A_988 : vector<16x1xi32> to vector<16xi32>
      %gather3A_990 = tpu.dynamic_gather %add3A_977[%gather3A_989] in [0] : vector<16xf32>, vector<16xi32> -> vector<16xf32>
      %add3A_991 = arith.addf %add3A_977, %gather3A_990 : vector<16xf32>
      %xor3A_992 = arith.constant 1 : i32
      %xor3A_993 = vector.broadcast %xor3A_992 : i32 to vector<16xi32>
      %xor3A_994 = arith.xori %iota3A, %xor3A_993 : vector<16xi32>
      %lt3A_995 = arith.constant 0 : i32
      %lt3A_996 = vector.broadcast %lt3A_995 : i32 to vector<16xi32>
      %lt3A_997 = arith.cmpi slt, %xor3A_994, %lt3A_996 : vector<16xi32>
      %add3A_998 = arith.constant 16 : i32
      %add3A_999 = vector.broadcast %add3A_998 : i32 to vector<16xi32>
      %add3A_1000 = arith.addi %xor3A_994, %add3A_999 : vector<16xi32>
      %select_n3A_1001 = arith.select %lt3A_997, %add3A_1000, %xor3A_994 : vector<16xi1>, vector<16xi32>
      %reshape3A_1002 = vector.shape_cast %select_n3A_1001 : vector<16xi32> to vector<16x1xi32>
      %gather3A_1003 = vector.shape_cast %reshape3A_1002 : vector<16x1xi32> to vector<16xi32>
      %gather3A_1004 = tpu.dynamic_gather %add3A_991[%gather3A_1003] in [0] : vector<16xf32>, vector<16xi32> -> vector<16xf32>
      %add3A_1005 = arith.addf %add3A_991, %gather3A_1004 : vector<16xf32>
      %sub3A_1006 = vector.broadcast %scan3A_52 : f32 to vector<16xf32>
      %sub3A_1007 = arith.subf %sub3A_1006, %add3A_949 : vector<16xf32>
      %mul3A_1008 = vector.broadcast %squeeze3A : f32 to vector<16xf32>
      %mul3A_1009 = arith.mulf %sub3A_1007, %mul3A_1008 : vector<16xf32>
      %sub3A_1010 = arith.subf %add3A_1005, %mul3A_1009 : vector<16xf32>
      %div3A_1011 = arith.divf %sub3A_1010, %add3A_949 : vector<16xf32>
      %add3A_1012 = vector.broadcast %squeeze3A_22 : f32 to vector<16xf32>
      %add3A_1013 = arith.addf %div3A_1011, %add3A_1012 : vector<16xf32>
      %broadcast_in_dim3A_1014 = vector.broadcast %add3A_194 : i32 to vector<16xi32>
      tpu.vector_store_idx %arg9[%broadcast_in_dim3A_1014], %add3A_1013 masked %eq3A_14 : memref<128xf32, #tpu.memory_space<vmem>>[vector<16xi32>], vector<16xf32>, vector<16xi1>
    }
    %scan3A_57 = arith.constant 64 : i32
    %dma_wait3A_58 = arith.constant 0 : i32
    %dma_wait3A_59 = arith.constant 0 : i32
    %dma_wait3A_60 = arith.constant 0 : i32
    %dma_wait3A_61 = arith.constant 0 : i32
    %dma_wait3A_62 = arith.constant 0 : i32
    %dma_wait3A_63 = tpu.memref_slice %arg8[%dma_wait3A_60, %dma_wait3A_61, %dma_wait3A_62] : memref<2x2x100xf32, #tpu.memory_space<vmem>> -> memref<1x1x100xf32, #tpu.memory_space<vmem>>
    %dma_wait3A_64 = tpu.memref_squeeze %dma_wait3A_63 : memref<1x1x100xf32, #tpu.memory_space<vmem>> -> memref<100xf32, #tpu.memory_space<vmem>>
    %dma_wait3A_65 = arith.constant 0 : i32
    %dma_wait3A_66 = tpu.memref_slice %arg7[%dma_wait3A_58, %dma_wait3A_59, %dma_wait3A_65] : memref<128x2x100xi32, #tpu.memory_space<vmem>> -> memref<1x1x100xi32, #tpu.memory_space<vmem>>
    %dma_wait3A_67 = tpu.memref_squeeze %dma_wait3A_66 : memref<1x1x100xi32, #tpu.memory_space<vmem>> -> memref<100xi32, #tpu.memory_space<vmem>>
    %dma_wait3A_68 = arith.constant 0 : i32
    %dma_wait3A_69 = tpu.memref_slice %arg6[%dma_wait3A_68] : memref<1000000xf32, #tpu.memory_space<vmem_shared>> -> memref<1000000xf32, #tpu.memory_space<vmem_shared>>
    tpu.wait_indirect_dma semaphore(%arg12 : memref<!tpu.dma_semaphore, #tpu.memory_space<semaphore_mem>>) src(%dma_wait3A_69 : memref<1000000xf32, #tpu.memory_space<vmem_shared>>) dst(%dma_wait3A_64 : memref<100xf32, #tpu.memory_space<vmem>>)
    %dma_wait3A_70 = arith.constant 0 : i32
    %dma_wait3A_71 = arith.constant 1 : i32
    %dma_wait3A_72 = arith.constant 0 : i32
    %dma_wait3A_73 = arith.constant 1 : i32
    %dma_wait3A_74 = arith.constant 0 : i32
    %dma_wait3A_75 = tpu.memref_slice %arg8[%dma_wait3A_72, %dma_wait3A_73, %dma_wait3A_74] : memref<2x2x100xf32, #tpu.memory_space<vmem>> -> memref<1x1x100xf32, #tpu.memory_space<vmem>>
    %dma_wait3A_76 = tpu.memref_squeeze %dma_wait3A_75 : memref<1x1x100xf32, #tpu.memory_space<vmem>> -> memref<100xf32, #tpu.memory_space<vmem>>
    %dma_wait3A_77 = arith.constant 0 : i32
    %dma_wait3A_78 = tpu.memref_slice %arg7[%dma_wait3A_70, %dma_wait3A_71, %dma_wait3A_77] : memref<128x2x100xi32, #tpu.memory_space<vmem>> -> memref<1x1x100xi32, #tpu.memory_space<vmem>>
    %dma_wait3A_79 = tpu.memref_squeeze %dma_wait3A_78 : memref<1x1x100xi32, #tpu.memory_space<vmem>> -> memref<100xi32, #tpu.memory_space<vmem>>
    %dma_wait3A_80 = arith.constant 0 : i32
    %dma_wait3A_81 = tpu.memref_slice %arg6[%dma_wait3A_80] : memref<1000000xf32, #tpu.memory_space<vmem_shared>> -> memref<1000000xf32, #tpu.memory_space<vmem_shared>>
    tpu.wait_indirect_dma semaphore(%arg12 : memref<!tpu.dma_semaphore, #tpu.memory_space<semaphore_mem>>) src(%dma_wait3A_81 : memref<1000000xf32, #tpu.memory_space<vmem_shared>>) dst(%dma_wait3A_76 : memref<100xf32, #tpu.memory_space<vmem>>)
    %get3A_82 = arith.constant 0 : index
    %get3A_83 = tpu.vector_load %arg9[%get3A_82] {strides = array<i32>} : memref<128xf32, #tpu.memory_space<vmem>>, vector<16xf32>,
    %neg3A = arith.constant 0.000000e+00 : f32
    %neg3A_84 = vector.broadcast %neg3A : f32 to vector<16xf32>
    %neg3A_85 = arith.subf %neg3A_84, %get3A_83 : vector<16xf32>
    %exp3A = math.exp %neg3A_85 : vector<16xf32>
    %add3A_86 = arith.constant 1.000000e+00 : f32
    %add3A_87 = vector.broadcast %add3A_86 : f32 to vector<16xf32>
    %add3A_88 = arith.addf %add3A_87, %exp3A : vector<16xf32>
    %div3A = arith.constant 1.000000e+00 : f32
    %div3A_89 = vector.broadcast %div3A : f32 to vector<16xf32>
    %div3A_90 = arith.divf %div3A_89, %add3A_88 : vector<16xf32>
    %swap3A = arith.constant 0 : index
    %swap3A_91 = tpu.vector_load %arg9[%swap3A] {strides = array<i32>} : memref<128xf32, #tpu.memory_space<vmem>>, vector<16xf32>,
    tpu.vector_store %arg9[%swap3A], %div3A_90 {strides = array<i32>} : memref<128xf32, #tpu.memory_space<vmem>>, vector<16xf32>,
    %get3A_92 = arith.constant 16 : index
    %get3A_93 = tpu.vector_load %arg9[%get3A_92] {strides = array<i32>} : memref<128xf32, #tpu.memory_space<vmem>>, vector<16xf32>,
    %neg3A_94 = arith.constant 0.000000e+00 : f32
    %neg3A_95 = vector.broadcast %neg3A_94 : f32 to vector<16xf32>
    %neg3A_96 = arith.subf %neg3A_95, %get3A_93 : vector<16xf32>
    %exp3A_97 = math.exp %neg3A_96 : vector<16xf32>
    %add3A_98 = arith.constant 1.000000e+00 : f32
    %add3A_99 = vector.broadcast %add3A_98 : f32 to vector<16xf32>
    %add3A_100 = arith.addf %add3A_99, %exp3A_97 : vector<16xf32>
    %div3A_101 = arith.constant 1.000000e+00 : f32
    %div3A_102 = vector.broadcast %div3A_101 : f32 to vector<16xf32>
    %div3A_103 = arith.divf %div3A_102, %add3A_100 : vector<16xf32>
    %swap3A_104 = arith.constant 16 : index
    %swap3A_105 = tpu.vector_load %arg9[%swap3A_104] {strides = array<i32>} : memref<128xf32, #tpu.memory_space<vmem>>, vector<16xf32>,
    tpu.vector_store %arg9[%swap3A_104], %div3A_103 {strides = array<i32>} : memref<128xf32, #tpu.memory_space<vmem>>, vector<16xf32>,
    %get3A_106 = arith.constant 32 : index
    %get3A_107 = tpu.vector_load %arg9[%get3A_106] {strides = array<i32>} : memref<128xf32, #tpu.memory_space<vmem>>, vector<16xf32>,
    %neg3A_108 = arith.constant 0.000000e+00 : f32
    %neg3A_109 = vector.broadcast %neg3A_108 : f32 to vector<16xf32>
    %neg3A_110 = arith.subf %neg3A_109, %get3A_107 : vector<16xf32>
    %exp3A_111 = math.exp %neg3A_110 : vector<16xf32>
    %add3A_112 = arith.constant 1.000000e+00 : f32
    %add3A_113 = vector.broadcast %add3A_112 : f32 to vector<16xf32>
    %add3A_114 = arith.addf %add3A_113, %exp3A_111 : vector<16xf32>
    %div3A_115 = arith.constant 1.000000e+00 : f32
    %div3A_116 = vector.broadcast %div3A_115 : f32 to vector<16xf32>
    %div3A_117 = arith.divf %div3A_116, %add3A_114 : vector<16xf32>
    %swap3A_118 = arith.constant 32 : index
    %swap3A_119 = tpu.vector_load %arg9[%swap3A_118] {strides = array<i32>} : memref<128xf32, #tpu.memory_space<vmem>>, vector<16xf32>,
    tpu.vector_store %arg9[%swap3A_118], %div3A_117 {strides = array<i32>} : memref<128xf32, #tpu.memory_space<vmem>>, vector<16xf32>,
    %get3A_120 = arith.constant 48 : index
    %get3A_121 = tpu.vector_load %arg9[%get3A_120] {strides = array<i32>} : memref<128xf32, #tpu.memory_space<vmem>>, vector<16xf32>,
    %neg3A_122 = arith.constant 0.000000e+00 : f32
    %neg3A_123 = vector.broadcast %neg3A_122 : f32 to vector<16xf32>
    %neg3A_124 = arith.subf %neg3A_123, %get3A_121 : vector<16xf32>
    %exp3A_125 = math.exp %neg3A_124 : vector<16xf32>
    %add3A_126 = arith.constant 1.000000e+00 : f32
    %add3A_127 = vector.broadcast %add3A_126 : f32 to vector<16xf32>
    %add3A_128 = arith.addf %add3A_127, %exp3A_125 : vector<16xf32>
    %div3A_129 = arith.constant 1.000000e+00 : f32
    %div3A_130 = vector.broadcast %div3A_129 : f32 to vector<16xf32>
    %div3A_131 = arith.divf %div3A_130, %add3A_128 : vector<16xf32>
    %swap3A_132 = arith.constant 48 : index
    %swap3A_133 = tpu.vector_load %arg9[%swap3A_132] {strides = array<i32>} : memref<128xf32, #tpu.memory_space<vmem>>, vector<16xf32>,
    tpu.vector_store %arg9[%swap3A_132], %div3A_131 {strides = array<i32>} : memref<128xf32, #tpu.memory_space<vmem>>, vector<16xf32>,
    %get3A_134 = arith.constant 64 : index
    %get3A_135 = tpu.vector_load %arg9[%get3A_134] {strides = array<i32>} : memref<128xf32, #tpu.memory_space<vmem>>, vector<16xf32>,
    %neg3A_136 = arith.constant 0.000000e+00 : f32
    %neg3A_137 = vector.broadcast %neg3A_136 : f32 to vector<16xf32>
    %neg3A_138 = arith.subf %neg3A_137, %get3A_135 : vector<16xf32>
    %exp3A_139 = math.exp %neg3A_138 : vector<16xf32>
    %add3A_140 = arith.constant 1.000000e+00 : f32
    %add3A_141 = vector.broadcast %add3A_140 : f32 to vector<16xf32>
    %add3A_142 = arith.addf %add3A_141, %exp3A_139 : vector<16xf32>
    %div3A_143 = arith.constant 1.000000e+00 : f32
    %div3A_144 = vector.broadcast %div3A_143 : f32 to vector<16xf32>
    %div3A_145 = arith.divf %div3A_144, %add3A_142 : vector<16xf32>
    %swap3A_146 = arith.constant 64 : index
    %swap3A_147 = tpu.vector_load %arg9[%swap3A_146] {strides = array<i32>} : memref<128xf32, #tpu.memory_space<vmem>>, vector<16xf32>,
    tpu.vector_store %arg9[%swap3A_146], %div3A_145 {strides = array<i32>} : memref<128xf32, #tpu.memory_space<vmem>>, vector<16xf32>,
    %get3A_148 = arith.constant 80 : index
    %get3A_149 = tpu.vector_load %arg9[%get3A_148] {strides = array<i32>} : memref<128xf32, #tpu.memory_space<vmem>>, vector<16xf32>,
    %neg3A_150 = arith.constant 0.000000e+00 : f32
    %neg3A_151 = vector.broadcast %neg3A_150 : f32 to vector<16xf32>
    %neg3A_152 = arith.subf %neg3A_151, %get3A_149 : vector<16xf32>
    %exp3A_153 = math.exp %neg3A_152 : vector<16xf32>
    %add3A_154 = arith.constant 1.000000e+00 : f32
    %add3A_155 = vector.broadcast %add3A_154 : f32 to vector<16xf32>
    %add3A_156 = arith.addf %add3A_155, %exp3A_153 : vector<16xf32>
    %div3A_157 = arith.constant 1.000000e+00 : f32
    %div3A_158 = vector.broadcast %div3A_157 : f32 to vector<16xf32>
    %div3A_159 = arith.divf %div3A_158, %add3A_156 : vector<16xf32>
    %swap3A_160 = arith.constant 80 : index
    %swap3A_161 = tpu.vector_load %arg9[%swap3A_160] {strides = array<i32>} : memref<128xf32, #tpu.memory_space<vmem>>, vector<16xf32>,
    tpu.vector_store %arg9[%swap3A_160], %div3A_159 {strides = array<i32>} : memref<128xf32, #tpu.memory_space<vmem>>, vector<16xf32>,
    %get3A_162 = arith.constant 96 : index
    %get3A_163 = tpu.vector_load %arg9[%get3A_162] {strides = array<i32>} : memref<128xf32, #tpu.memory_space<vmem>>, vector<16xf32>,
    %neg3A_164 = arith.constant 0.000000e+00 : f32
    %neg3A_165 = vector.broadcast %neg3A_164 : f32 to vector<16xf32>
    %neg3A_166 = arith.subf %neg3A_165, %get3A_163 : vector<16xf32>
    %exp3A_167 = math.exp %neg3A_166 : vector<16xf32>
    %add3A_168 = arith.constant 1.000000e+00 : f32
    %add3A_169 = vector.broadcast %add3A_168 : f32 to vector<16xf32>
    %add3A_170 = arith.addf %add3A_169, %exp3A_167 : vector<16xf32>
    %div3A_171 = arith.constant 1.000000e+00 : f32
    %div3A_172 = vector.broadcast %div3A_171 : f32 to vector<16xf32>
    %div3A_173 = arith.divf %div3A_172, %add3A_170 : vector<16xf32>
    %swap3A_174 = arith.constant 96 : index
    %swap3A_175 = tpu.vector_load %arg9[%swap3A_174] {strides = array<i32>} : memref<128xf32, #tpu.memory_space<vmem>>, vector<16xf32>,
    tpu.vector_store %arg9[%swap3A_174], %div3A_173 {strides = array<i32>} : memref<128xf32, #tpu.memory_space<vmem>>, vector<16xf32>,
    %get3A_176 = arith.constant 112 : index
    %get3A_177 = tpu.vector_load %arg9[%get3A_176] {strides = array<i32>} : memref<128xf32, #tpu.memory_space<vmem>>, vector<16xf32>,
    %neg3A_178 = arith.constant 0.000000e+00 : f32
    %neg3A_179 = vector.broadcast %neg3A_178 : f32 to vector<16xf32>
    %neg3A_180 = arith.subf %neg3A_179, %get3A_177 : vector<16xf32>
    %exp3A_181 = math.exp %neg3A_180 : vector<16xf32>
    %add3A_182 = arith.constant 1.000000e+00 : f32
    %add3A_183 = vector.broadcast %add3A_182 : f32 to vector<16xf32>
    %add3A_184 = arith.addf %add3A_183, %exp3A_181 : vector<16xf32>
    %div3A_185 = arith.constant 1.000000e+00 : f32
    %div3A_186 = vector.broadcast %div3A_185 : f32 to vector<16xf32>
    %div3A_187 = arith.divf %div3A_186, %add3A_184 : vector<16xf32>
    %swap3A_188 = arith.constant 112 : index
    %swap3A_189 = tpu.vector_load %arg9[%swap3A_188] {strides = array<i32>} : memref<128xf32, #tpu.memory_space<vmem>>, vector<16xf32>,
    tpu.vector_store %arg9[%swap3A_188], %div3A_187 {strides = array<i32>} : memref<128xf32, #tpu.memory_space<vmem>>, vector<16xf32>,
    "tpu.region"() ({
      %run_scoped3A = tpu.sem_alloc : memref<!tpu.dma_semaphore, #tpu.memory_space<semaphore_mem>>
      %dma_start3A_190 = tpu.memref_slice %arg5[%mul3A_2] : memref<4096xf32, #tpu.memory_space<hbm>> -> memref<128xf32, #tpu.memory_space<hbm>>
      %dma_start3A_191 = tpu.memref_slice %arg5[%mul3A_2] : memref<4096xf32, #tpu.memory_space<hbm>> -> memref<128xf32, #tpu.memory_space<hbm>>
      tpu.enqueue_dma source(%arg9 : memref<128xf32, #tpu.memory_space<vmem>>) target(%dma_start3A_191 : memref<128xf32, #tpu.memory_space<hbm>>) target_semaphore(%run_scoped3A : memref<!tpu.dma_semaphore, #tpu.memory_space<semaphore_mem>>)
      %dma_wait3A_192 = tpu.memref_slice %arg5[%mul3A_2] : memref<4096xf32, #tpu.memory_space<hbm>> -> memref<128xf32, #tpu.memory_space<hbm>>
      %dma_wait3A_193 = tpu.memref_slice %arg5[%mul3A_2] : memref<4096xf32, #tpu.memory_space<hbm>> -> memref<128xf32, #tpu.memory_space<hbm>>
      tpu.wait_dma2 semaphore(%run_scoped3A : memref<!tpu.dma_semaphore, #tpu.memory_space<semaphore_mem>>) src(%arg9 : memref<128xf32, #tpu.memory_space<vmem>>) dst(%dma_wait3A_193 : memref<128xf32, #tpu.memory_space<hbm>>)
      tpu.yield
    }) : () -> ()
    return
  }
}

module attributes {stable_mosaic.version = 14 : i64} {
  func.func @tw_body(%arg0: i32, %arg1: memref<1x16xf32, #tpu.memory_space<vmem>>, %arg2: memref<16x131072xf32, #tpu.memory_space<vmem>>, %arg3: memref<131072xf32, #tpu.memory_space<vmem>>) attributes {dimension_semantics = [#tpu.dimension_semantics<arbitrary>], iteration_bounds = array<i64: 8>, scalar_prefetch = 0 : i64, scratch_operands = 0 : i64, tpu.core_type = #tpu.core_type<tc>, window_params = [{pipeline_mode = #tpu.pipeline_mode<synchronous>, transform_indices = @transform_0, window_bounds = array<i64: 1, 16>}, {transform_indices = @transform_1, window_bounds = array<i64: 16, 131072>}, {transform_indices = @transform_2, window_bounds = array<i64: 131072>}]} {
    %get3A = arith.constant 0 : index
    %get3A_0 = arith.constant 0 : index
    %get3A_1 = vector.load %arg2[%get3A, %get3A_0] : memref<16x131072xf32, #tpu.memory_space<vmem>>, vector<16x131072xf32>
    %get3A_2 = arith.constant 0 : index
    %get3A_3 = arith.constant 0 : index
    %get3A_4 = vector.load %arg1[%get3A_2, %get3A_3] : memref<1x16xf32, #tpu.memory_space<vmem>>, vector<1x16xf32>
    %reshape3A = vector.shape_cast %get3A_4 : vector<1x16xf32> to vector<16x1xf32>
    %mul3A = vector.broadcast %reshape3A : vector<16x1xf32> to vector<16x131072xf32>
    %mul3A_5 = arith.mulf %get3A_1, %mul3A : vector<16x131072xf32>
    %reduce_sum3A = arith.constant dense<0.000000e+00> : vector<131072xf32>
    %reduce_sum3A_6 = vector.multi_reduction <add>, %mul3A_5, %reduce_sum3A [0] : vector<16x131072xf32> to vector<131072xf32>
    %swap3A = arith.constant 0 : index
    %swap3A_7 = vector.load %arg3[%swap3A] : memref<131072xf32, #tpu.memory_space<vmem>>, vector<131072xf32>
    tpu.vector_store %arg3[%swap3A], %reduce_sum3A_6 {strides = array<i32>} : memref<131072xf32, #tpu.memory_space<vmem>>, vector<131072xf32>,
    return
  }
  func.func @transform_0(%arg0: i32) -> (i32, i32) {
    %c0_i32 = arith.constant 0 : i32
    %c0_i32_0 = arith.constant 0 : i32
    %c0_i32_1 = arith.constant 0 : i32
    return %c0_i32, %c0_i32_0 : i32, i32
  }
  func.func @transform_1(%arg0: i32) -> (i32, i32) {
    %c0_i32 = arith.constant 0 : i32
    %c0_i32_0 = arith.constant 0 : i32
    return %c0_i32, %arg0 : i32, i32
  }
  func.func @transform_2(%arg0: i32) -> i32 {
    %c0_i32 = arith.constant 0 : i32
    return %arg0 : i32
  }
}

</mosaic_0001>

<sc_bundles>
// kernel: kernel.4.cloned.1.call-start
scs
__scs_entry_jumppad:
0x0: {  	(pc) =	sbr.rel $0x88, $3  }
0x1: {  	(tag) =	ssettag $0x0;
	lr =	simm.s32 $0x1  }
0x2: {  	[smem:$0x3F9D] =	sst lr;
	_ =	strace $0xD0000000  }
0x3: {  	_ = 	snop  }
0x4: {  	_ = 	snop  }
0x5: {  	_ = 	snop  }
0x6: {  	_ = 	snop  }
0x7: {  	_ = 	snop  }
__scs_overlays_trampoline_lowered:
0x8: {  	[smem:$0x3FAC] =	sst s0  }
0x9: {  	[smem:$0x3FAD] =	sst s1  }
0xa: {  	[smem:$0x3FAE] =	sst s2  }
0xb: {  	[smem:$0x3FAF] =	sst s3  }
0xc: {  	[smem:$0x3FB0] =	sst s4  }
0xd: {  	[smem:$0x3FB1] =	sst s5  }
0xe: {  	[smem:$0x3FB2] =	sst s6  }
0xf: {  	[smem:$0x3FB3] =	sst s7  }
0x10: {  	[smem:$0x3FB4] =	sst s8  }
0x11: {  	[smem:$0x3FB5] =	sst s9;
	s0 =	simm.s32 @!p0 $0x0  }
0x12: {  	s1 =	sld [smem:$0x3F9B];
	s0 =	simm.s32 @p0 $0x1  }
0x13: {  	[smem:$0x3FB6] =	sst s0;
	s0 =	simm.s32 @!p1 $0x0  }
0x14: {  	s2 =	sld [smem:$0x3F9A];
	s0 =	simm.s32 @p1 $0x1  }
0x15: {  	[smem:$0x3FB7] =	sst s0;
	s0 =	simm.s32 @!p2 $0x0  }
0x16: {  	s3 =	sld [smem:$0x3FDB];
	s0 =	simm.s32 @p2 $0x1  }
0x17: {  	s4 =	simm.s32 $0x1BF5;
	[smem:$0x3FB9] =	sst s0  }
0x18: {  	s0 =	sld [smem:$0x3F9C];
	_ =	swait.ge [sflag:s4], $0x0  }
0x19: {  	s7 =	sld [smem:$0x3F9D]  }
0x1a: {  	s8 =	sadd.s32 $0xFFFFE003, lr  }
0x1b: {  	s9 =	sadd.s32 $0xFFFFFEF7, lr;
	s5 =	simm.s32 $0xFFFFFFFF;
	p2 =	slt.u32 s8, $0xFFFFF086  }
0x1c: {  	p1 =	slt.u32 s9, $0xF7A;
	s5 =	simm.s32 @!p2 $0x0  }
0x1d: {  	s5 =	simm.s32 @p1 $0x1;
	p0 =	seq.s32 s7, s2  }
0x1e: {  	s7 =	smul.u32 @!p0 $0xF7A, s2;
	p2 =	seq.s32 @!p0 s5, $0x0  }
0x1f: {  	s9 =	smul.u32 $0xF7A, s1;
	s8 =	simm.s32 @!p0 $0x1BF5;
	p2 =	por !p2, p0  }
0x20: {  	[sflag:s8] =	ssyncset.s32 @!p0 $0xFFFFF086;
	s6 =	sadd.s32 @!p0 s3, s7;
	s7 =	simm.s32 @!p0 $0x108  }
0x21: {  	s3 =	sadd.s32 s3, s9;
	s6 =	sadd.s32 @!p0 $0x88, s6;
	s7 =	simm.s32 @p2 $0x1082  }
0x22: {  	[simem:s7], [sflag:s8] =	dma.local @!p0 [hbm:s6], $0xF7A  }
0x23: {  	s9 =	sor.u32 $0xD0000000, s2;
	s6 =	simm.s32 $0x108;
	_ =	swait.ge @!p0 [sflag:s8], $0x0  }
0x24: {  	s3 =	sadd.s32 $0x88, s3;
	s6 =	simm.s32 @!p1 $0x1082;
	[sflag:s4] =	ssyncset.s32 $0xFFFFF086  }
0x25: {  	[simem:s6], [sflag:s4] =	dma.local [hbm:s3], $0xF7A  }
0x26: {  	[smem:$0x3F9D] =	sst s1;
	(tag) =	ssettag s2;
	_ =	strace s9  }
0x27: {  	s1 =	sld [smem:$0x3FAD]  }
0x28: {  	s2 =	sld [smem:$0x3FAE]  }
0x29: {  	s4 =	sld [smem:$0x3FB0]  }
0x2a: {  	p0 =	seq.s32 s5, $0x0;
	s5 =	sld [smem:$0x3FB1]  }
0x2b: {  	s6 =	sld [smem:$0x3FB2]  }
0x2c: {  	s7 =	sld [smem:$0x3FB3]  }
0x2d: {  	s3 =	simm.s32 $0x108;
	s8 =	sld [smem:$0x3FB4]  }
0x2e: {  	s3 =	simm.s32 @!p0 $0x1082;
	s9 =	sld [smem:$0x3FB5]  }
0x2f: {  	lr =	sadd.s32 s0, s3;
	s0 =	sld [smem:$0x3FAC]  }
0x30: {  	s3 =	sld [smem:$0x3FAF]  }
0x31: {  	[smem:$0x3FB8] =	sst s10  }
0x32: {  	s10 =	sld [smem:$0x3FB6];
	_ =	sdelay $0x3  }
0x33: {  	p0 =	seq.s32 s10, $0x1;
	s10 =	sld [smem:$0x3FB8];
	_ =	sdelay $0x3  }
0x34: {  	[smem:$0x3FB8] =	sst s10  }
0x35: {  	s10 =	sld [smem:$0x3FB7];
	_ =	sdelay $0x3  }
0x36: {  	p1 =	seq.s32 s10, $0x1;
	s10 =	sld [smem:$0x3FB8];
	_ =	sdelay $0x3  }
0x37: {  	[smem:$0x3FB8] =	sst s10  }
0x38: {  	s10 =	sld [smem:$0x3FB9]  }
0x39: {  	_ = 	snop;
	(pc) =	sbr.ind lr, $3  }
0x3a: {  	_ = 	snop  }
0x3b: {  	_ = 	snop  }
0x3c: {  	p2 =	seq.s32 s10, $0x1;
	s10 =	sld [smem:$0x3FB8]  }
0x3d: {  	_ =	shalt  }
0x3e: {  	_ =	shalt  }
0x3f: {  	_ =	shalt  }
0x40: {  	_ =	shalt  }
0x41: {  	_ =	shalt  }
0x42: {  	_ =	shalt  }
0x43: {  	_ =	shalt  }
0x44: {  	_ =	shalt  }
0x45: {  	_ =	shalt  }
0x46: {  	_ =	shalt  }
0x47: {  	_ =	shalt  }
0x48: {  	_ =	shalt  }
0x49: {  	_ =	shalt  }
0x4a: {  	_ =	shalt  }
0x4b: {  	_ =	shalt  }
0x4c: {  	_ =	shalt  }
0x4d: {  	_ =	shalt  }
0x4e: {  	_ =	shalt  }
0x4f: {  	_ =	shalt  }
0x50: {  	_ =	shalt  }
0x51: {  	_ =	shalt  }
0x52: {  	_ =	shalt  }
0x53: {  	_ =	shalt  }
0x54: {  	_ =	shalt  }
0x55: {  	_ =	shalt  }
0x56: {  	_ =	shalt  }
0x57: {  	_ =	shalt  }
0x58: {  	_ =	shalt  }
0x59: {  	_ =	shalt  }
0x5a: {  	_ =	shalt  }
0x5b: {  	_ =	shalt  }
0x5c: {  	_ =	shalt  }
0x5d: {  	_ =	shalt  }
0x5e: {  	_ =	shalt  }
0x5f: {  	_ =	shalt  }
0x60: {  	_ =	shalt  }
0x61: {  	_ =	shalt  }
0x62: {  	_ =	shalt  }
0x63: {  	_ =	shalt  }
0x64: {  	_ =	shalt  }
0x65: {  	_ =	shalt  }
0x66: {  	_ =	shalt  }
0x67: {  	_ =	shalt  }
0x68: {  	_ =	shalt  }
0x69: {  	_ =	shalt  }
0x6a: {  	_ =	shalt  }
0x6b: {  	_ =	shalt  }
0x6c: {  	_ =	shalt  }
0x6d: {  	_ =	shalt  }
0x6e: {  	_ =	shalt  }
0x6f: {  	_ =	shalt  }
0x70: {  	_ =	shalt  }
0x71: {  	_ =	shalt  }
0x72: {  	_ =	shalt  }
0x73: {  	_ =	shalt  }
0x74: {  	_ =	shalt  }
0x75: {  	_ =	shalt  }
0x76: {  	_ =	shalt  }
0x77: {  	_ =	shalt  }
0x78: {  	_ =	shalt  }
0x79: {  	_ =	shalt  }
0x7a: {  	_ =	shalt  }
0x7b: {  	_ =	shalt  }
0x7c: {  	_ =	shalt  }
0x7d: {  	_ =	shalt  }
0x7e: {  	_ =	shalt  }
0x7f: {  	_ =	shalt  }
0x80: {  	_ =	shalt  }
0x81: {  	_ =	shalt  }
0x82: {  	_ =	shalt  }
0x83: {  	_ =	shalt  }
0x84: {  	_ =	shalt  }
0x85: {  	_ =	shalt  }
0x86: {  	_ =	shalt  }
0x87: {  	_ =	shalt  }
.Lfunc_end0:
.L_simem_size_0:
called_computation_lowered:
.L_overlay_start_0:
0x88: {  	s2 =	sld [smem:$0x3FD9]  }
0x89: {  	s3 =	sld [smem:$0x3FFE];
	_ =	sdelay $0x1  }
0x8a: {  	s1 =	srdreg.scid  }
0x8b: {  	s0 =	sand.u32 $0x1, s1  }
0x8c: {  	s17 =	sshll.u32 s0, $0xA;
	s2 =	sadd.s32 s3, s2  }
0x8d: {  	s2 =	sadd.s32 s2, s17  }
0x8e: {  	[smem:$0x3FC4] =	sst s2  }
0x8f: {  	_ = 	snop  }
0x90: {  	s2 =	sld [smem:$0x3FD0];
	(tm) =	ssettm $0x1  }
0x91: {  	s18 =	sld [smem:$0x3FFB];
	_ =	sdelay $0x3  }
0x92: {  	_ =	strace s18  }
0x93: {  	s3 =	sld [smem:$0x3FFC];
	_ =	sdelay $0x3  }
0x94: {  	_ =	strace s3  }
0x95: {  	s3 =	sld [smem:$0x3FFD];
	_ =	sdelay $0x3  }
0x96: {  	_ =	strace s3  }
0x97: {  	_ =	strace $0x8FFFFFFF  }
0x98: {  	s19 =	sld [smem:$0x3FDB];
	_ =	sdelay $0x1  }
0x99: {  	s4 =	simm.s32 $_scs_section_size  }
0x9a: {  	s5 =	simm.s32 $_size__tile_overlayer_lowered;
	s6 =	simm.s32 $_tile_overlayer_lowered  }
0x9b: {  	s22 =	simm.s32 $0x1BFF;
	s21 =	sshll.u32 s6, $0x1;
	s3 =	sadd.s32 s4, s19  }
0x9c: {  	s7 =	simm.s32 $0x0;
	s20 =	sshll.u32 s5, $0x1;
	s5 =	sadd.s32 s21, s3  }
0x9d: {  	[timem:s7], [sflag:s22] =	dma.local [hbm:s5], s20  }
0x9e: {  	_ =	swait.ge [sflag:s22], s20  }
0x9f: {  	s4 =	ssub.s32 $0x0, s20;
	[sflag:s22] =	ssyncset.done $0x0  }
0xa0: {  	[sflag:s22] =	ssyncadd.s32 s4;
	_ =	sdelay $0x1  }
0xa1: {  	s23 =	simm.s32 $0x1B8B  }
0xa2: {  	_ =	swait.ge [sflag:s23], $0x1  }
0xa3: {  	[sflag:s23] =	ssyncset.done $0x0  }
0xa4: {  	s25 =	simm.s32 $0x1B8E;
	s24 =	sld [smem:$0x3FFE];
	[sflag:s23] =	ssyncadd.s32 $0xFFFFFFFF  }
0xa5: {  	s26 =	simm.s32 $execute0_lowered;
	[smem:$0x3FD2] =	sst s25  }
0xa6: {  	s5 =	sshll.u32 s26, $0x1;
	_ =	strace $0x80000046;
	[dreg:$0x1] =	wrdreg $0xFFFFFFFF  }
0xa7: {  	s28 =	simm.s32 $_size_execute0_lowered;
	s3 =	sadd.s32 s3, s5;
	[dreg:$0x0] =	wrdreg $0x0  }
0xa8: {  	s5 =	sshll.u32 s28, $0x1;
	[dreg:$0x2] =	wrdreg s3  }
0xa9: {  	[dreg:$0x3] =	wrdreg s5  }
0xaa: {  	[dreg:$0x4] =	wrdreg $0xC0  }
0xab: {  	_ =	task [dreg:s7], $0x5FFFF  }
0xac: {  	[dreg:$0x1] =	wrdreg $0xFFFFFFFF  }
0xad: {  	[dreg:$0x0] =	wrdreg $0x60  }
0xae: {  	[dreg:$0x2] =	wrdreg s24  }
0xaf: {  	[dreg:$0x3] =	wrdreg s2  }
0xb0: {  	[dreg:$0x4] =	wrdreg $0x0  }
0xb1: {  	[dreg:$0x5] =	wrdreg $0x9  }
0xb2: {  	_ =	task.clear_ibuf [dreg:s7], $0x6FFFF;
	_ =	strace $0x90000046  }
0xb3: {  	s29 =	simm.s32 $0x9;
	_ =	strace $0x80000048  }
0xb4: {  	_ =	swait.ge [sflag:s29], $0x1  }
0xb5: {  	[sflag:s29] =	ssyncadd.s32 $0xFFFFFFFF  }
0xb6: {  	_ =	strace $0x90000048  }
0xb7: {  	_ =	sfence  }
0xb8: {  	s30 =	sld [smem:$0x0];
	_ =	sdelay $0x2  }
0xb9: {  	s31 =	sshll.u32 s1, $0xD;
	s1 =	sshrl.u32 s1, $0x2  }
0xba: {  	s3 =	sand.u32 $0x4000, s31;
	s1 =	sadd.s32 s1, s30  }
0xbb: {  	s0 =	sor.u32 s3, s0;
	s1 =	sshll.u32 s1, $0x11  }
0xbc: {  	s0 =	sor.u32 s1, s0  }
0xbd: {  	s0 =	sadd.s32 $0x8F2B, s0  }
0xbe: {  	[sflag:s0] =	ssyncadd.remote.s32 $0x1  }
0xbf: {  	_ =	sfence.sel $0xFFFF  }
0xc0: {  	[dreg:$0x0] =	wrdreg $0xFFFFFFFF;
	(pc) =	sbr.abs _section_cstart, $3  }
0xc1: {  	[dreg:$0x1] =	wrdreg $0xFFFFFFFF  }
0xc2: {  	_ =	task.clear_ibuf [dreg:s7], $0x2FFFF;
	_ =	strace $0x9FFFFFFF  }
0xc3: {  	(tm) =	ssettm $0x7FFFFFFF  }
tec
execute0_lowered:
.L_overlay_start_1:
0x0: {  	(tag) =	ssettag $0x1  }
0x1: {  	s6 =	rddreg [dreg:$0x0]  }
0x2: {  	s0 =	srdreg.scid;
	s7 =	rddreg [dreg:$0x1]  }
0x3: {  	s10 =	stileid.u32;
	s1 =	rddreg [dreg:$0x2]  }
0x4: {  	v0 =	vimm.s32 $0xBA98FEDC;
	v1 =	vimm.s32 $0x32107654;
	s16 =	simm.s32 $0x3;
	s17 =	simm.s32 $0x64;
	s18 =	simm.s32 $0x15C28  }
0x5: {  	s19 =	simm.s32 $0xF490;
	s20 =	simm.s32 $0x15C90;
	s21 =	simm.s32 $0x15CF8;
	v0 =	vunpack.c.l.s4.s8 v0;
	v1 =	vunpack.c.l.s4.s8 v1  }
0x6: {  	s22 =	simm.s32 $0x15D60;
	s23 =	simm.s32 $0x1;
	s24 =	simm.s32 $0x15DC8  }
0x7: {  	v3 =	vimm.s32 $0xFEDCBA98;
	s25 =	simm.s32 $0x2;
	s26 =	simm.s32 $0x0;
	s0 =	sand.u32 $0x1, s0;
	v0 =	vunpack.c.0.s8.s32 v0;
	v1 =	vunpack.c.0.s8.s32 v1  }
0x8: {  	v4 =	vimm.s32 $0xDCFE98BA;
	v6 =	vimm.s32 $0x67452301;
	s2 =	sshll.u32 s10, $0x8;
	s5 =	smul.u32 $0xF420, s10;
	s14 =	sadd.s32 $0xF4200, s1  }
0x9: {  	p0 =	sne.s32 s10, $0x0;
	v3 =	vunpack.c.l.s4.s8 v3;
	v6 =	vunpack.c.l.s4.s8 v6;
	s31 =	sshll.u32 s10, $0x6;
	s3 =	sshll.u32 s0, $0x7;
	v5 =	vcombine.low v1, v0  }
0xa: {  	s0 =	ssub.s32 $0x2, s0;
	s12 =	sor.u32 $0x1C04, s31;
	s14 =	sshrl.u32 @!p0 s14, $0x3;
	v0 =	vunpack.c.l.s4.s8 v4;
	v1 =	vimm.s32 $0x54761032;
	v4 =	vimm.s32 $0xEFCDAB89  }
0xb: {  	v2 =	vimm.s32 $0x76543210;
	s8 =	sor.u32 s3, s2;
	s2 =	simm.s32 $0x0;
	s9 =	sshrl.u32 s5, $0x3;
	v1 =	vunpack.c.l.s4.s8 v1;
	v4 =	vunpack.c.l.s4.s8 v4  }
0xc: {  	v2 =	vunpack.c.l.s4.s8 v2;
	s11 =	sshrl.u32 s0, $0x1;
	s13 =	sadd.s32 s5, s1;
	v3 =	vunpack.c.0.s8.s32 v3;
	v6 =	vunpack.c.0.s8.s32 v6;
	s3 =	smul.u32 $0x1A, s8  }
0xd: {  	[smem:$0x7FF] =	sst s2;
	s9 =	sadd.s32 s9, s6;
	s0 =	ssub.s32 s0, s11;
	v0 =	vunpack.c.0.s8.s32 v0;
	v1 =	vunpack.c.0.s8.s32 v1;
	v4 =	vunpack.c.0.s8.s32 v4  }
0xe: {  	vm1 =	vcmask $0x2F00;
	vm0 =	vmmov $0xfff;
	v2 =	vunpack.c.0.s8.s32 v2;
	s8 =	sshrl.u32 s8, $0x3;
	s11 =	simm.s32 $0x4;
	s13 =	sshrl.u32 s13, $0x3  }
0xf: {  	_ =	strace $0x80000047;
	s5 =	sadd.s32 $0x1A800, s9;
	s7 =	sadd.s32 s7, s8;
	v3 =	vand.u32 $0xF, v3;
	v7 =	vcombine.low v1, v0;
	v6 =	vcombine.low v6, v4  }
0x10: {  	s8 =	smax.u32 s0, $0x1;
	s9 =	simm.s32 $0xF428;
	s4 =	sadd.s32 s3, s6;
	v2 =	vcombine.low v3, v2;
	v3 =	vand.u32 $0xF, v5;
	v0 =	vimm.f32 $1.000000000e+00  }
0x11: {  	s3 =	sadd.s32 $0x39200, s6;
	s6 =	sadd.s32 $0x39040, s6;
	s4 =	sadd.s32 $0x800, s4;
	v1 =	vsel vm1, $0x0, v0;
	v4 =	vand.u32 $0xF, v7;
	v5 =	vand.u32 $0xF, v6  }
.LBB2_1:
0x12: {  	[tilespmem:s9], [sflag:$0x3] =	stream.linear.gather [hbm4b:s4+s2], $0x6800, $0x38;
	[tilespmem:$0x15E68] =	vst v63  }
0x13: {  	s0 =	simm.s32 $0x15E58  }
0x14: {  	[tilespmem:s0], [sflag:$0x4] =	stream.linear.gather [hbm4b:s3+s2], $0x10, $0x38;
	[tilespmem:$0x15E68] =	vst v63  }
0x15: {  	_ =	swait.ge [sflag:s11], $0x10  }
0x16: {  	[sflag:s11] =	ssyncset.done $0x0  }
0x17: {  	[sflag:s11] =	ssyncadd.s32 $0xFFFFFFF0  }
0x18: {  	[spmem:s13], [sflag:s12] =	dma.local [hbm:s5], $0x1E84  }
0x19: {  	_ =	swait.ge [sflag:s11], $0x1E84  }
0x1a: {  	[sflag:s11] =	ssyncset.done $0x0  }
0x1b: {  	s0 =	simm.s32 @!p0 $0x4;
	[sflag:s11] =	ssyncadd.s32 $0xFFFFE17C  }
0x1c: {  	[spmem:s14], [sflag:s12] =	dma.local @!p0 [hbm:s6], $0x8  }
0x1d: {  	_ =	swait.ge @!p0 [sflag:s0], $0x8  }
0x1e: {  	[sflag:s0] =	ssyncset.done @!p0 $0x0  }
0x1f: {  	[sflag:s0] =	ssyncadd.s32 @!p0 $0xFFFFFFF8  }
0x20: {  	s15 =	simm.s32 $0x15E48;
	[bflag:$0x0] =	sbarrier.arrive $0xFFFF  }
0x21: {  	[tilespmem:s15], [sflag:$0x4] =	stream.linear.gather [spmem:s1], $0x10, $0x38;
	[tilespmem:$0x15E68] =	vst v63  }
0x22: {  	_ =	swait.ge [sflag:s11], $0x10  }
0x23: {  	[sflag:s11] =	ssyncset.done $0x0  }
0x24: {  	[sflag:s11] =	ssyncadd.s32 $0xFFFFFFF0  }
0x25: {  	v7 =	vld.msk [tilespmem:$0x15E48 ss:$0x0], $0xffff  }
0x26: {  	v6 =	vld.msk [tilespmem:$0x15E58 ss:$0x0], $0xffff;
	_ =	swait.ge [sflag:s16], $0x6800  }
0x27: {  	[sflag:s16] =	ssyncset.done $0x0  }
0x28: {  	[sflag:s16] =	ssyncadd.s32 $0xFFFF9800  }
0x29: {  	[tilespmem:s18], [sflag:$0x1] =	stream.indirect.gather [spmem:s1], $0x1, s9, s17, $0xb8;
	[tilespmem:$0x15E68] =	vst v63  }
0x2a: {  	_ = 	snop  }
0x2b: {  	[tilespmem:s20], [sflag:$0x1] =	stream.indirect.gather [spmem:s1], $0x1, s19, s17, $0xb8;
	[tilespmem:$0x15E68] =	vst v63  }
0x2c: {  	s28 =	simm.s32 $0xF4F8  }
0x2d: {  	[tilespmem:s21], [sflag:$0x2] =	stream.indirect.gather [spmem:s1], $0x1, s28, s17, $0xb8;
	[tilespmem:$0x15E68] =	vst v63  }
0x2e: {  	s10 =	simm.s32 $0xF560  }
0x2f: {  	[tilespmem:s22], [sflag:$0x2] =	stream.indirect.gather [spmem:s1], $0x1, s10, s17, $0xb8;
	[tilespmem:$0x15E68] =	vst v63  }
0x30: {  	_ =	swait.ge [sflag:s23], $0x64  }
0x31: {  	[sflag:s23] =	ssyncset.done $0x0  }
0x32: {  	[sflag:s23] =	ssyncadd.s32 $0xFFFFFF9C  }
0x33: {  	_ =	swait.ge [sflag:s23], $0x64  }
0x34: {  	[sflag:s23] =	ssyncset.done $0x0  }
0x35: {  	[sflag:s23] =	ssyncadd.s32 $0xFFFFFF9C  }
0x36: {  	v8 =	vld [tilespmem:s28+$0xFFFFFF30]  }
0x37: {  	v9 =	vld [tilespmem:s28+$0xFFFFFF40]  }
0x38: {  	v10 =	vld [tilespmem:s28+$0xFFFFFF50];
	_ =	sdelay $0x1  }
0x39: {  	v11 =	vld [tilespmem:s28+$0xFFFFFF60];
	_ =	sdelay $0x1  }
0x3a: {  	v12 =	vld [tilespmem:s28+$0xFFFFFF70];
	vm1 =	veq.s32 v8, $0x0;
	vm2 =	veq.s32 v9, $0x0  }
0x3b: {  	v8 =	vsel vm1, $0x0, v0;
	v9 =	vsel vm2, $0x0, v0;
	vm1 =	veq.s32 v10, $0x0;
	v10 =	vld [tilespmem:$0x15C28]  }
0x3c: {  	v8 =	vadd.f32 v9, v8;
	v9 =	vld [tilespmem:s28+$0xFFFFFF80]  }
0x3d: {  	v13 =	vsel vm1, $0x0, v0;
	vm1 =	veq.s32 v11, $0x0;
	v11 =	vld [tilespmem:s28+$0xFFFFFF84]  }
0x3e: {  	v8 =	vadd.f32 v13, v8;
	v13 =	vld [tilespmem:$0x15C38]  }
0x3f: {  	v14 =	vsel vm1, $0x0, v0;
	vm1 =	veq.s32 v12, $0x0;
	v12 =	vld [tilespmem:s28+$0xFFFFFF98]  }
0x40: {  	v8 =	vadd.f32 v14, v8;
	v14 =	vld [tilespmem:$0x15C48]  }
0x41: {  	v15 =	vsel vm1, $0x0, v0;
	vm1 =	veq.s32 v9, $0x0;
	v9 =	vadd.f32 $0.0e+00, v10;
	v10 =	vld [tilespmem:s28+$0xFFFFFFA8]  }
0x42: {  	v8 =	vadd.f32 v15, v8;
	v15 =	vld [tilespmem:$0x15C58]  }
0x43: {  	v16 =	vsel vm1, $0x0, v0;
	vm1 =	veq.s32 v11, $0x0;
	v11 =	vld [tilespmem:s28+$0xFFFFFFB8];
	v9 =	vadd.f32 v13, v9  }
0x44: {  	v13 =	vld [tilespmem:$0x15C68];
	v8 =	vadd.f32 v16, v8  }
0x45: {  	v61 =	vsel vm1, $0x0, v1;
	vm1 =	veq.s32 v12, $0x0;
	v12 =	vld [tilespmem:s28+$0xFFFFFFC8];
	v9 =	vadd.f32 v14, v9  }
0x46: {  	v14 =	vld [tilespmem:$0x15C78];
	v8 =	vadd.f32 v61, v8  }
0x47: {  	v62 =	vsel vm1, $0x0, v0;
	vm1 =	veq.s32 v10, $0x0;
	v10 =	vld [tilespmem:$0x15C7C];
	v9 =	vadd.f32 v15, v9  }
0x48: {  	v8 =	vadd.f32 v62, v8  }
0x49: {  	v63 =	vld [tilespmem:s28+$0xFFFFFFD8];
	v15 =	vsel vm1, $0x0, v0;
	v9 =	vadd.f32 v13, v9  }
0x4a: {  	vm1 =	veq.s32 v11, $0x0;
	v13 =	vld [tilespmem:$0x15C90];
	v8 =	vadd.f32 v15, v8  }
0x4b: {  	v11 =	vld [tilespmem:s28+$0xFFFFFFE8];
	v15 =	vsel vm1, $0x0, v0;
	v9 =	vadd.f32 v14, v9  }
0x4c: {  	vm1 =	veq.s32 v12, $0x0;
	v10 =	vsel vm0, $0x0, v10;
	v14 =	vld [tilespmem:$0x15CA0];
	v8 =	vadd.f32 v15, v8  }
0x4d: {  	v12 =	vld [tilespmem:s28+$0xFFFFFFEC];
	v15 =	vsel vm1, $0x0, v0;
	v9 =	vadd.f32 v10, v9  }
0x4e: {  	vm1 =	veq.s32 v63, $0x0;
	v10 =	vld [tilespmem:$0x15CB0];
	v8 =	vadd.f32 v15, v8  }
0x4f: {  	v15 =	vsel vm1, $0x0, v0;
	v9 =	vadd.f32 v13, v9  }
0x50: {  	vm1 =	veq.s32 v11, $0x0;
	v11 =	vld [tilespmem:$0x15CC0];
	v8 =	vadd.f32 v15, v8  }
0x51: {  	v13 =	vsel vm1, $0x0, v0;
	v9 =	vadd.f32 v14, v9  }
0x52: {  	vm1 =	veq.s32 v12, $0x0;
	v12 =	vld [tilespmem:$0x15CD0];
	v8 =	vadd.f32 v13, v8  }
0x53: {  	v13 =	vsel vm1, $0x0, v1;
	v9 =	vadd.f32 v10, v9  }
0x54: {  	v10 =	vld [tilespmem:$0x15CE0];
	v8 =	vadd.f32 v13, v8  }
0x55: {  	v9 =	vadd.f32 v11, v9;
	v11 =	vld [tilespmem:$0x15CE4]  }
0x56: {  	v13 =	vperm.xlane v8, v2  }
0x57: {  	v9 =	vadd.f32 v12, v9  }
0x58: {  	v8 =	vadd.f32 v8, v13  }
0x59: {  	v9 =	vadd.f32 v10, v9  }
0x5a: {  	v10 =	vperm.xlane v8, v3;
	v11 =	vsel vm0, $0x0, v11  }
0x5b: {  	v9 =	vadd.f32 v11, v9  }
0x5c: {  	v8 =	vadd.f32 v8, v10  }
0x5d: {  	v11 =	vperm.xlane v9, v2  }
0x5e: {  	v10 =	vperm.xlane v8, v4  }
0x5f: {  	v9 =	vadd.f32 v11, v9  }
0x60: {  	v8 =	vadd.f32 v8, v10  }
0x61: {  	v11 =	vperm.xlane v9, v3  }
0x62: {  	v10 =	vperm.xlane v8, v5  }
0x63: {  	v9 =	vadd.f32 v11, v9  }
0x64: {  	v8 =	vadd.f32 v8, v10  }
0x65: {  	v10 =	vperm.xlane v9, v4  }
0x66: {  	(erf) = vrcp.f32 v8  }
0x67: {  	v9 =	vadd.f32 v10, v9;
	_ =	sdelay $0x1  }
0x68: {  	v10 =	vperm.xlane v9, v5  }
0x69: {  	v8 =	vsub.f32 $2.000000000e+02, v8  }
0x6a: {  	v9 =	vadd.f32 v10, v9;
	v10 =	vmov s2  }
0x6b: {  	v8 =	vmul.f32 v8, v7;
	v10 =	vand.u32 $0xFFFFFFFE, v10;
	_ =	sdelay $0x1  }
0x6c: {  	v8 =	vsub.f32 v9, v8;
	v9 =	vbroadcast v10, $0x0  }
0x6d: {  	s31 =	simm.s32 $0x2;
	v10 =	vpop (erf)  }
0x6e: {  	s15 =	sand.u32 $0x7E, s31;
	v8 =	vmul.f32 v8, v10  }
0x6f: {  	s0 =	smul.u32 $0x340, s15  }
0x70: {  	v8 =	vadd.f32 v8, v6  }
0x71: {  	s0 =	sshrl.u32 s0, $0x2  }
0x72: {  	s10 =	sadd.s32 $0xF428, s0;
	[tilespmem:v9+s24+$0x0] =	vst.idx.msk $0x1, v8  }
0x73: {  	[tilespmem:s18], [sflag:$0x1] =	stream.indirect.gather [spmem:s1], $0x1, s10, s17, $0xb8;
	[tilespmem:$0x15E68] =	vst v63  }
0x74: {  	s0 =	sadd.s32 $0xF490, s0  }
0x75: {  	[tilespmem:s20], [sflag:$0x1] =	stream.indirect.gather [spmem:s1], $0x1, s0, s17, $0xb8;
	[tilespmem:$0x15E68] =	vst v63  }
0x76: {  	_ =	swait.ge [sflag:s25], $0x64  }
0x77: {  	[sflag:s25] =	ssyncset.done $0x0  }
0x78: {  	[sflag:s25] =	ssyncadd.s32 $0xFFFFFF9C  }
0x79: {  	_ =	swait.ge [sflag:s25], $0x64  }
0x7a: {  	[sflag:s25] =	ssyncset.done $0x0  }
0x7b: {  	[sflag:s25] =	ssyncadd.s32 $0xFFFFFF9C  }
0x7c: {  	v12 =	vld [tilespmem:s28+$0x0]  }
0x7d: {  	v11 =	vld [tilespmem:s28+$0x10]  }
0x7e: {  	v10 =	vld [tilespmem:s28+$0x20]  }
0x7f: {  	v9 =	vld [tilespmem:s28+$0x30]  }
0x80: {  	s30 =	simm.s32 $0xF4F8;
	s29 =	simm.s32 $0x0;
	v8 =	vld [tilespmem:s28+$0x40]  }
.LBB2_2:
0x81: {  	p1 =	sne.s32 s31, $0x7E  }
0x82: {  	v13 =	vld [tilespmem:$0x15CF8];
	vm1 =	veq.s32 v12, $0x0;
	s28 =	sadd.s32 $0x1A0, s28;
	s10 =	smov.u32 s31;
	s31 =	sadd.s32 $0x2, s31  }
0x83: {  	s0 =	sand.u32 $0x7E, s31;
	v12 =	vsel vm1, $0x0, v0;
	vm1 =	veq.s32 v11, $0x0;
	v11 =	vld [tilespmem:s30+$0x50]  }
0x84: {  	s0 =	smul.u32 $0x340, s0;
	v14 =	vld [tilespmem:$0x15D08];
	v15 =	vsel vm1, $0x0, v0;
	vm1 =	veq.s32 v10, $0x0  }
0x85: {  	v10 =	vadd.f32 v15, v12;
	v12 =	vld [tilespmem:$0x15D18];
	v15 =	vsel vm1, $0x0, v0;
	vm1 =	veq.s32 v9, $0x0  }
0x86: {  	s0 =	sshrl.u32 s0, $0x2;
	vm2 =	veq.s32 v8, $0x0;
	v8 =	vld [tilespmem:s30+$0x54]  }
0x87: {  	v9 =	vadd.f32 $0.0e+00, v13;
	v10 =	vadd.f32 v15, v10;
	v13 =	vld [tilespmem:$0x15D28];
	v15 =	vsel vm1, $0x0, v0  }
0x88: {  	vm1 =	veq.s32 v11, $0x0;
	v11 =	vld [tilespmem:s30+$0x68]  }
0x89: {  	v9 =	vadd.f32 v14, v9;
	v10 =	vadd.f32 v15, v10;
	v14 =	vld [tilespmem:$0x15D38];
	v15 =	vsel vm2, $0x0, v0  }
0x8a: {  	v16 =	vld [tilespmem:s30+$0x78]  }
0x8b: {  	v9 =	vadd.f32 v12, v9;
	v10 =	vadd.f32 v15, v10;
	v12 =	vld [tilespmem:$0x15D48];
	v15 =	vsel vm1, $0x0, v0  }
0x8c: {  	vm1 =	veq.s32 v8, $0x0;
	v17 =	vld [tilespmem:$0x15D4C]  }
0x8d: {  	v8 =	vadd.f32 v13, v9;
	v9 =	vadd.f32 v15, v10;
	v10 =	vsel vm1, $0x0, v1;
	v13 =	vld [tilespmem:s30+$0x88]  }
0x8e: {  	vm1 =	veq.s32 v11, $0x0;
	v11 =	vld [tilespmem:s30+$0x98]  }
0x8f: {  	v8 =	vadd.f32 v14, v8;
	v9 =	vadd.f32 v10, v9;
	v10 =	vld [tilespmem:$0x15D60];
	v14 =	vsel vm1, $0x0, v0  }
0x90: {  	vm1 =	veq.s32 v16, $0x0;
	v15 =	vld [tilespmem:s30+$0xA8]  }
0x91: {  	v8 =	vadd.f32 v12, v8;
	v9 =	vadd.f32 v14, v9;
	v12 =	vld [tilespmem:$0x15D70];
	v14 =	vsel vm1, $0x0, v0  }
0x92: {  	v16 =	vsel vm0, $0x0, v17;
	vm1 =	veq.s32 v13, $0x0;
	v13 =	vld [tilespmem:s30+$0xB8]  }
0x93: {  	v8 =	vadd.f32 v16, v8;
	v9 =	vadd.f32 v14, v9;
	v14 =	vld [tilespmem:$0x15D80];
	v16 =	vsel vm1, $0x0, v0  }
0x94: {  	vm1 =	veq.s32 v11, $0x0;
	v11 =	vld [tilespmem:s30+$0xBC];
	s30 =	smov.u32 s28  }
0x95: {  	v8 =	vadd.f32 v10, v8;
	v9 =	vadd.f32 v16, v9;
	v10 =	vld [tilespmem:$0x15D90];
	v16 =	vsel vm1, $0x0, v0  }
0x96: {  	vm1 =	veq.s32 v15, $0x0;
	v17 =	vld [tilespmem:$0x15DA0]  }
0x97: {  	v8 =	vadd.f32 v12, v8;
	v9 =	vadd.f32 v16, v9;
	v12 =	vsel vm1, $0x0, v0;
	v15 =	vld [tilespmem:$0x15DB0]  }
0x98: {  	vm1 =	veq.s32 v13, $0x0;
	v13 =	vld [tilespmem:$0x15DB4]  }
0x99: {  	v8 =	vadd.f32 v14, v8;
	v9 =	vadd.f32 v12, v9;
	v12 =	vsel vm1, $0x0, v0  }
0x9a: {  	vm1 =	veq.s32 v11, $0x0  }
0x9b: {  	v8 =	vadd.f32 v10, v8;
	v9 =	vadd.f32 v12, v9;
	v10 =	vsel vm1, $0x0, v1;
	_ =	sdelay $0x1  }
0x9c: {  	v8 =	vadd.f32 v17, v8;
	v9 =	vadd.f32 v10, v9;
	_ =	sdelay $0x1  }
0x9d: {  	v8 =	vadd.f32 v15, v8;
	v10 =	vperm.xlane v9, v2  }
0x9e: {  	v11 =	vsel vm0, $0x0, v13  }
0x9f: {  	v8 =	vadd.f32 v11, v8;
	v9 =	vadd.f32 v9, v10;
	_ =	sdelay $0x1  }
0xa0: {  	v10 =	vperm.xlane v9, v3;
	v11 =	vperm.xlane v8, v2;
	_ =	sdelay $0x1  }
0xa1: {  	v9 =	vadd.f32 v9, v10;
	v8 =	vadd.f32 v11, v8;
	_ =	sdelay $0x1  }
0xa2: {  	v10 =	vperm.xlane v9, v4;
	v11 =	vperm.xlane v8, v3;
	_ =	sdelay $0x1  }
0xa3: {  	v9 =	vadd.f32 v9, v10;
	v8 =	vadd.f32 v11, v8;
	_ =	sdelay $0x1  }
0xa4: {  	v10 =	vperm.xlane v9, v5;
	v11 =	vperm.xlane v8, v4;
	_ =	sdelay $0x1  }
0xa5: {  	v9 =	vadd.f32 v9, v10;
	v8 =	vadd.f32 v11, v8;
	_ =	sdelay $0x1  }
0xa6: {  	v10 =	vperm.xlane v8, v5;
	v11 =	vsub.f32 $2.000000000e+02, v9;
	(erf) = vrcp.f32 v9;
	_ =	sdelay $0x1  }
0xa7: {  	v8 =	vadd.f32 v10, v8;
	_ =	sdelay $0x2  }
0xa8: {  	v9 =	vmul.f32 v11, v7;
	_ =	sdelay $0x1  }
0xa9: {  	s15 =	sadd.s32 $0x1, s29;
	s29 =	smov.u32 s10;
	v8 =	vsub.f32 v8, v9  }
0xaa: {  	v9 =	vmov s15  }
0xab: {  	v10 =	vpop (erf)  }
0xac: {  	v8 =	vmul.f32 v8, v10;
	_ =	sdelay $0x1  }
0xad: {  	v8 =	vadd.f32 v8, v6;
	_ =	sdelay $0x1  }
0xae: {  	[tilespmem:v9+s24+$0x0] =	vst.idx.msk $0x1, v8  }
0xaf: {  	[tilespmem:s21], [sflag:$0x2] =	stream.indirect.gather [spmem:s1], $0x1, s28, s17, $0xb8;
	[tilespmem:$0x15E68] =	vst v63  }
0xb0: {  	s10 =	sadd.s32 $0x68, s28  }
0xb1: {  	[tilespmem:s22], [sflag:$0x2] =	stream.indirect.gather [spmem:s1], $0x1, s10, s17, $0xb8;
	[tilespmem:$0x15E68] =	vst v63  }
0xb2: {  	_ =	swait.ge [sflag:s23], $0x64  }
0xb3: {  	[sflag:s23] =	ssyncset.done $0x0  }
0xb4: {  	[sflag:s23] =	ssyncadd.s32 $0xFFFFFF9C  }
0xb5: {  	_ =	swait.ge [sflag:s23], $0x64  }
0xb6: {  	[sflag:s23] =	ssyncset.done $0x0  }
0xb7: {  	[sflag:s23] =	ssyncadd.s32 $0xFFFFFF9C  }
0xb8: {  	v8 =	vld [tilespmem:s28+$0xFFFFFF30]  }
0xb9: {  	v9 =	vld [tilespmem:s28+$0xFFFFFF40];
	_ =	sdelay $0x1  }
0xba: {  	v10 =	vld [tilespmem:s28+$0xFFFFFF50];
	_ =	sdelay $0x1  }
0xbb: {  	vm1 =	veq.s32 v8, $0x0;
	v8 =	vld [tilespmem:s28+$0xFFFFFF60]  }
0xbc: {  	vm2 =	veq.s32 v9, $0x0  }
0xbd: {  	v9 =	vsel vm1, $0x0, v0;
	v11 =	vsel vm2, $0x0, v0;
	v12 =	vld [tilespmem:s28+$0xFFFFFF70]  }
0xbe: {  	v9 =	vadd.f32 v11, v9;
	vm1 =	veq.s32 v10, $0x0;
	v10 =	vld [tilespmem:s28+$0xFFFFFF80]  }
0xbf: {  	v11 =	vld [tilespmem:$0x15C28];
	v13 =	vsel vm1, $0x0, v0  }
0xc0: {  	v9 =	vadd.f32 v13, v9;
	vm1 =	veq.s32 v8, $0x0;
	v8 =	vld [tilespmem:s28+$0xFFFFFF84]  }
0xc1: {  	v13 =	vld [tilespmem:$0x15C38];
	v14 =	vsel vm1, $0x0, v0  }
0xc2: {  	v9 =	vadd.f32 v14, v9;
	vm1 =	veq.s32 v12, $0x0;
	v12 =	vld [tilespmem:s28+$0xFFFFFF98]  }
0xc3: {  	v14 =	vld [tilespmem:$0x15C48];
	v15 =	vsel vm1, $0x0, v0;
	vm1 =	veq.s32 v10, $0x0  }
0xc4: {  	v10 =	vadd.f32 $0.0e+00, v11;
	v9 =	vadd.f32 v15, v9;
	v11 =	vld [tilespmem:s28+$0xFFFFFFA8]  }
0xc5: {  	v16 =	vsel vm1, $0x0, v0;
	v15 =	vld [tilespmem:$0x15C58];
	vm1 =	veq.s32 v8, $0x0  }
0xc6: {  	v8 =	vadd.f32 v13, v10;
	v9 =	vadd.f32 v16, v9;
	v10 =	vld [tilespmem:s28+$0xFFFFFFB8]  }
0xc7: {  	v16 =	vsel vm1, $0x0, v1;
	v13 =	vld [tilespmem:$0x15C68];
	vm1 =	veq.s32 v12, $0x0  }
0xc8: {  	v8 =	vadd.f32 v14, v8;
	v9 =	vadd.f32 v16, v9;
	v12 =	vld [tilespmem:s28+$0xFFFFFFC8]  }
0xc9: {  	v16 =	vsel vm1, $0x0, v0;
	v14 =	vld [tilespmem:$0x15C78];
	vm1 =	veq.s32 v11, $0x0  }
0xca: {  	v8 =	vadd.f32 v15, v8;
	v11 =	vld [tilespmem:$0x15C7C];
	v9 =	vadd.f32 v16, v9  }
0xcb: {  	v15 =	vsel vm1, $0x0, v0;
	vm1 =	veq.s32 v10, $0x0;
	v10 =	vld [tilespmem:s28+$0xFFFFFFD8]  }
0xcc: {  	v8 =	vadd.f32 v13, v8;
	v9 =	vadd.f32 v15, v9;
	v13 =	vld [tilespmem:s28+$0xFFFFFFE8]  }
0xcd: {  	v16 =	vsel vm1, $0x0, v0;
	v15 =	vld [tilespmem:$0x15C90];
	vm1 =	veq.s32 v12, $0x0  }
0xce: {  	v8 =	vadd.f32 v14, v8;
	v9 =	vadd.f32 v16, v9;
	v12 =	vld [tilespmem:s28+$0xFFFFFFEC]  }
0xcf: {  	v16 =	vsel vm1, $0x0, v0;
	v11 =	vsel vm0, $0x0, v11;
	v14 =	vld [tilespmem:$0x15CA0]  }
0xd0: {  	v8 =	vadd.f32 v11, v8;
	v9 =	vadd.f32 v16, v9;
	vm1 =	veq.s32 v10, $0x0  }
0xd1: {  	v10 =	vld [tilespmem:$0x15CB0];
	v11 =	vsel vm1, $0x0, v0;
	vm1 =	veq.s32 v13, $0x0  }
0xd2: {  	v8 =	vadd.f32 v15, v8;
	v9 =	vadd.f32 v11, v9  }
0xd3: {  	v13 =	vsel vm1, $0x0, v0;
	v11 =	vld [tilespmem:$0x15CC0];
	vm1 =	veq.s32 v12, $0x0  }
0xd4: {  	v8 =	vadd.f32 v14, v8;
	v9 =	vadd.f32 v13, v9  }
0xd5: {  	v13 =	vsel vm1, $0x0, v1;
	v12 =	vld [tilespmem:$0x15CD0]  }
0xd6: {  	v8 =	vadd.f32 v10, v8;
	v9 =	vadd.f32 v13, v9  }
0xd7: {  	v10 =	vld [tilespmem:$0x15CE0]  }
0xd8: {  	v8 =	vadd.f32 v11, v8;
	v11 =	vld [tilespmem:$0x15CE4];
	v13 =	vperm.xlane v9, v2;
	_ =	sdelay $0x1  }
0xd9: {  	v8 =	vadd.f32 v12, v8;
	v9 =	vadd.f32 v9, v13;
	_ =	sdelay $0x1  }
0xda: {  	v8 =	vadd.f32 v10, v8;
	v10 =	vperm.xlane v9, v3  }
0xdb: {  	v11 =	vsel vm0, $0x0, v11  }
0xdc: {  	v8 =	vadd.f32 v11, v8;
	v9 =	vadd.f32 v9, v10;
	_ =	sdelay $0x1  }
0xdd: {  	v10 =	vperm.xlane v9, v4;
	v11 =	vperm.xlane v8, v2;
	_ =	sdelay $0x1  }
0xde: {  	v9 =	vadd.f32 v9, v10;
	v8 =	vadd.f32 v11, v8;
	_ =	sdelay $0x1  }
0xdf: {  	v10 =	vperm.xlane v9, v5;
	v11 =	vperm.xlane v8, v3;
	_ =	sdelay $0x1  }
0xe0: {  	v9 =	vadd.f32 v9, v10;
	v8 =	vadd.f32 v11, v8;
	_ =	sdelay $0x1  }
0xe1: {  	v10 =	vperm.xlane v8, v4;
	v11 =	vsub.f32 $2.000000000e+02, v9;
	(erf) = vrcp.f32 v9;
	_ =	sdelay $0x1  }
0xe2: {  	v8 =	vadd.f32 v10, v8;
	v9 =	vmul.f32 v11, v7;
	_ =	sdelay $0x1  }
0xe3: {  	v10 =	vperm.xlane v8, v5;
	_ =	sdelay $0x1  }
0xe4: {  	v8 =	vadd.f32 v10, v8;
	v10 =	vmov s29  }
0xe5: {  	v11 =	vand.u32 $0xFFFFFFFE, v10  }
0xe6: {  	v8 =	vsub.f32 v8, v9;
	v9 =	vbroadcast v11, $0x0  }
0xe7: {  	v10 =	vpop (erf)  }
0xe8: {  	v8 =	vmul.f32 v8, v10;
	_ =	sdelay $0x1  }
0xe9: {  	v8 =	vadd.f32 v8, v6;
	_ =	sdelay $0x1  }
0xea: {  	s10 =	sadd.s32 $0xF428, s0;
	[tilespmem:v9+s24+$0x0] =	vst.idx.msk $0x1, v8  }
0xeb: {  	[tilespmem:s18], [sflag:$0x1] =	stream.indirect.gather [spmem:s1], $0x1, s10, s17, $0xb8;
	[tilespmem:$0x15E68] =	vst v63  }
0xec: {  	s0 =	sadd.s32 $0xF490, s0  }
0xed: {  	[tilespmem:s20], [sflag:$0x1] =	stream.indirect.gather [spmem:s1], $0x1, s0, s17, $0xb8;
	[tilespmem:$0x15E68] =	vst v63  }
0xee: {  	_ =	swait.ge [sflag:s25], $0x64  }
0xef: {  	[sflag:s25] =	ssyncset.done $0x0  }
0xf0: {  	[sflag:s25] =	ssyncadd.s32 $0xFFFFFF9C  }
0xf1: {  	_ =	swait.ge [sflag:s25], $0x64  }
0xf2: {  	[sflag:s25] =	ssyncset.done $0x0  }
0xf3: {  	[sflag:s25] =	ssyncadd.s32 $0xFFFFFF9C  }
.Ltmp0:
0xf4: {  	v12 =	vld [tilespmem:s28+$0x0];
	(pc) =	sbr.rel @p1 .LBB2_2-.Ltmp0, $4  }
0xf5: {  	v11 =	vld [tilespmem:s28+$0x10]  }
0xf6: {  	v10 =	vld [tilespmem:s28+$0x20]  }
0xf7: {  	v9 =	vld [tilespmem:s28+$0x30]  }
0xf8: {  	v8 =	vld [tilespmem:s28+$0x40]  }
0xf9: {  	_ = 	snop  }
0xfa: {  	vm1 =	veq.s32 v12, $0x0;
	vm2 =	veq.s32 v11, $0x0  }
0xfb: {  	v17 =	vsel vm1, $0x0, v0;
	v18 =	vsel vm2, $0x0, v0  }
0xfc: {  	v13 =	vld [tilespmem:$0x15CF8];
	vm1 =	veq.s32 v10, $0x0;
	v19 =	vadd.f32 v18, v17  }
0xfd: {  	v20 =	vld [tilespmem:s30+$0x50];
	v21 =	vsel vm1, $0x0, v0  }
0xfe: {  	v14 =	vld [tilespmem:$0x15D08];
	vm1 =	veq.s32 v9, $0x0;
	v22 =	vadd.f32 v21, v19  }
0xff: {  	v23 =	vld [tilespmem:s30+$0x54];
	v24 =	vsel vm1, $0x0, v0  }
0x100: {  	v15 =	vld [tilespmem:$0x15D18];
	vm1 =	veq.s32 v8, $0x0;
	v25 =	vadd.f32 v24, v22  }
0x101: {  	v26 =	vld [tilespmem:s30+$0x68];
	v27 =	vsel vm1, $0x0, v0  }
0x102: {  	v16 =	vld [tilespmem:$0x15D28];
	v13 =	vadd.f32 $0.0e+00, v13;
	vm1 =	veq.s32 v20, $0x0;
	v8 =	vadd.f32 v27, v25  }
0x103: {  	v28 =	vld [tilespmem:s30+$0x78];
	v29 =	vsel vm1, $0x0, v0  }
0x104: {  	v30 =	vld [tilespmem:$0x15D38];
	vm1 =	veq.s32 v23, $0x0;
	v13 =	vadd.f32 v14, v13;
	v8 =	vadd.f32 v29, v8  }
0x105: {  	v31 =	vld [tilespmem:s30+$0x88];
	v10 =	vsel vm1, $0x0, v1  }
0x106: {  	v32 =	vld [tilespmem:$0x15D48];
	vm1 =	veq.s32 v26, $0x0;
	v13 =	vadd.f32 v15, v13;
	v8 =	vadd.f32 v10, v8  }
0x107: {  	v33 =	vld [tilespmem:s30+$0x98];
	v34 =	vsel vm1, $0x0, v0  }
0x108: {  	v17 =	vld [tilespmem:$0x15D4C];
	vm1 =	veq.s32 v28, $0x0;
	v13 =	vadd.f32 v16, v13;
	v8 =	vadd.f32 v34, v8  }
0x109: {  	v35 =	vld [tilespmem:s30+$0xA8];
	v11 =	vsel vm1, $0x0, v0  }
0x10a: {  	v36 =	vld [tilespmem:$0x15D60];
	vm1 =	veq.s32 v31, $0x0;
	v13 =	vadd.f32 v30, v13;
	v8 =	vadd.f32 v11, v8  }
0x10b: {  	v37 =	vld [tilespmem:s30+$0xB8];
	v12 =	vsel vm1, $0x0, v0  }
0x10c: {  	v38 =	vld [tilespmem:$0x15D70];
	vm1 =	veq.s32 v33, $0x0;
	v13 =	vadd.f32 v32, v13;
	v8 =	vadd.f32 v12, v8  }
0x10d: {  	v40 =	vld [tilespmem:s30+$0xBC];
	v39 =	vsel vm0, $0x0, v17;
	v41 =	vsel vm1, $0x0, v0  }
0x10e: {  	vm1 =	veq.s32 v35, $0x0;
	v9 =	vadd.f32 v39, v13;
	v8 =	vadd.f32 v41, v8  }
0x10f: {  	v42 =	vld [tilespmem:$0x15D80];
	v43 =	vsel vm1, $0x0, v0  }
0x110: {  	vm1 =	veq.s32 v37, $0x0;
	v9 =	vadd.f32 v36, v9;
	v8 =	vadd.f32 v43, v8  }
0x111: {  	v44 =	vld [tilespmem:$0x15D90];
	v45 =	vsel vm1, $0x0, v0  }
0x112: {  	vm1 =	veq.s32 v40, $0x0;
	v9 =	vadd.f32 v38, v9;
	v8 =	vadd.f32 v45, v8  }
0x113: {  	v46 =	vld [tilespmem:$0x15DA0];
	v47 =	vsel vm1, $0x0, v1  }
0x114: {  	v9 =	vadd.f32 v42, v9;
	v8 =	vadd.f32 v47, v8  }
0x115: {  	v48 =	vld [tilespmem:$0x15DB0]  }
0x116: {  	v49 =	vld [tilespmem:$0x15DB4];
	v9 =	vadd.f32 v44, v9;
	v50 =	vperm.xlane v8, v2;
	_ =	sdelay $0x1  }
0x117: {  	v9 =	vadd.f32 v46, v9;
	v8 =	vadd.f32 v8, v50;
	_ =	sdelay $0x1  }
0x118: {  	v9 =	vadd.f32 v48, v9;
	v51 =	vperm.xlane v8, v3  }
0x119: {  	v52 =	vsel vm0, $0x0, v49  }
0x11a: {  	v9 =	vadd.f32 v52, v9;
	v8 =	vadd.f32 v8, v51;
	_ =	sdelay $0x1  }
0x11b: {  	v53 =	vperm.xlane v9, v2;
	v54 =	vperm.xlane v8, v4;
	_ =	sdelay $0x1  }
0x11c: {  	v9 =	vadd.f32 v53, v9;
	v8 =	vadd.f32 v8, v54;
	_ =	sdelay $0x1  }
0x11d: {  	v10 =	vperm.xlane v9, v3;
	v11 =	vperm.xlane v8, v5;
	_ =	sdelay $0x1  }
0x11e: {  	v9 =	vadd.f32 v10, v9;
	v8 =	vadd.f32 v8, v11;
	_ =	sdelay $0x1  }
0x11f: {  	v10 =	vperm.xlane v9, v4;
	(erf) = vrcp.f32 v8;
	_ =	sdelay $0x1  }
0x120: {  	v9 =	vadd.f32 v10, v9;
	_ =	sdelay $0x1  }
0x121: {  	v10 =	vperm.xlane v9, v5;
	v8 =	vsub.f32 $2.000000000e+02, v8;
	_ =	sdelay $0x1  }
0x122: {  	v9 =	vadd.f32 v10, v9;
	v7 =	vmul.f32 v8, v7;
	_ =	sdelay $0x1  }
0x123: {  	s0 =	sadd.s32 $0x1, s29;
	v7 =	vsub.f32 v9, v7  }
0x124: {  	v55 =	vmov s0;
	v56 =	vpop (erf)  }
0x125: {  	v7 =	vmul.f32 v7, v56;
	_ =	sdelay $0x1  }
0x126: {  	v6 =	vadd.f32 v7, v6;
	_ =	sdelay $0x1  }
0x127: {  	[tilespmem:v55+s24+$0x0] =	vst.idx.msk $0x1, v6  }
0x128: {  	_ =	swait.ge [sflag:s23], $0x64  }
0x129: {  	[sflag:s23] =	ssyncset.done $0x0  }
0x12a: {  	[sflag:s23] =	ssyncadd.s32 $0xFFFFFF9C  }
0x12b: {  	_ =	swait.ge [sflag:s23], $0x64  }
0x12c: {  	[sflag:s23] =	ssyncset.done $0x0  }
0x12d: {  	[sflag:s23] =	ssyncadd.s32 $0xFFFFFF9C  }
0x12e: {  	v6 =	vld [tilespmem:$0x15DC8];
	_ =	sdelay $0x4  }
0x12f: {  	v6 =	vsub.f32 $0.0e+00, v6;
	_ =	sdelay $0x1  }
0x130: {  	v6 =	vmul.f32 $1.442695020e+00, v6;
	_ =	sdelay $0x1  }
0x131: {  	(erf) = vpow2.f32 v6;
	_ =	sdelay $0x3  }
0x132: {  	v6 =	vld [tilespmem:$0x15DD8];
	_ =	sdelay $0x4  }
0x133: {  	v6 =	vsub.f32 $0.0e+00, v6;
	v7 =	vpop (erf)  }
0x134: {  	v7 =	vadd.f32 $1.000000000e+00, v7  }
0x135: {  	v6 =	vmul.f32 $1.442695020e+00, v6  }
0x136: {  	(erf) = vrcp.f32 v7  }
0x137: {  	(erf) = vpow2.f32 v6;
	_ =	sdelay $0x3  }
0x138: {  	v6 =	vld [tilespmem:$0x15DE8];
	_ =	sdelay $0x3  }
0x139: {  	v7 =	vpop (erf)  }
0x13a: {  	v6 =	vsub.f32 $0.0e+00, v6;
	v57 =	vpop (erf)  }
0x13b: {  	v8 =	vadd.f32 $1.000000000e+00, v57  }
0x13c: {  	v6 =	vmul.f32 $1.442695020e+00, v6  }
0x13d: {  	(erf) = vrcp.f32 v8  }
0x13e: {  	(erf) = vpow2.f32 v6;
	_ =	sdelay $0x3  }
0x13f: {  	v6 =	vld [tilespmem:$0x15DF8];
	_ =	sdelay $0x3  }
0x140: {  	v8 =	vpop (erf)  }
0x141: {  	v6 =	vsub.f32 $0.0e+00, v6;
	v58 =	vpop (erf)  }
0x142: {  	v9 =	vadd.f32 $1.000000000e+00, v58  }
0x143: {  	v6 =	vmul.f32 $1.442695020e+00, v6  }
0x144: {  	(erf) = vrcp.f32 v9  }
0x145: {  	(erf) = vpow2.f32 v6;
	_ =	sdelay $0x3  }
0x146: {  	v6 =	vld [tilespmem:$0x15E08];
	_ =	sdelay $0x3  }
0x147: {  	v9 =	vpop (erf)  }
0x148: {  	v6 =	vsub.f32 $0.0e+00, v6;
	v59 =	vpop (erf)  }
0x149: {  	v10 =	vadd.f32 $1.000000000e+00, v59  }
0x14a: {  	v6 =	vmul.f32 $1.442695020e+00, v6  }
0x14b: {  	(erf) = vrcp.f32 v10  }
0x14c: {  	(erf) = vpow2.f32 v6;
	_ =	sdelay $0x3  }
0x14d: {  	v6 =	vld [tilespmem:$0x15E18];
	_ =	sdelay $0x3  }
0x14e: {  	v10 =	vpop (erf)  }
0x14f: {  	v6 =	vsub.f32 $0.0e+00, v6;
	v60 =	vpop (erf)  }
0x150: {  	v11 =	vadd.f32 $1.000000000e+00, v60  }
0x151: {  	v6 =	vmul.f32 $1.442695020e+00, v6  }
0x152: {  	(erf) = vrcp.f32 v11  }
0x153: {  	(erf) = vpow2.f32 v6;
	_ =	sdelay $0x3  }
0x154: {  	v6 =	vld [tilespmem:$0x15E28];
	_ =	sdelay $0x3  }
0x155: {  	v11 =	vpop (erf)  }
0x156: {  	v6 =	vsub.f32 $0.0e+00, v6;
	v61 =	vpop (erf)  }
0x157: {  	v12 =	vadd.f32 $1.000000000e+00, v61  }
0x158: {  	v6 =	vmul.f32 $1.442695020e+00, v6  }
0x159: {  	(erf) = vrcp.f32 v12  }
0x15a: {  	(erf) = vpow2.f32 v6;
	_ =	sdelay $0x3  }
0x15b: {  	v6 =	vld [tilespmem:$0x15E38];
	_ =	sdelay $0x3  }
0x15c: {  	v12 =	vpop (erf)  }
0x15d: {  	v6 =	vsub.f32 $0.0e+00, v6;
	v62 =	vpop (erf)  }
0x15e: {  	v13 =	vadd.f32 $1.000000000e+00, v62  }
0x15f: {  	v6 =	vmul.f32 $1.442695020e+00, v6  }
0x160: {  	(erf) = vrcp.f32 v13  }
0x161: {  	(erf) = vpow2.f32 v6;
	_ =	sdelay $0x7  }
0x162: {  	v6 =	vpop (erf)  }
0x163: {  	v63 =	vpop (erf)  }
0x164: {  	v13 =	vadd.f32 $1.000000000e+00, v63;
	_ =	sdelay $0x1  }
0x165: {  	(erf) = vrcp.f32 v13;
	_ =	sdelay $0x2  }
0x166: {  	[tilespmem:$0x15DC8] =	vst v7  }
0x167: {  	[tilespmem:$0x15DD8] =	vst v8  }
0x168: {  	[tilespmem:$0x15DE8] =	vst v9  }
0x169: {  	[tilespmem:$0x15DF8] =	vst v10  }
0x16a: {  	[tilespmem:$0x15E08] =	vst v11  }
0x16b: {  	s26 =	sadd.s32 $0x1, s26;
	[tilespmem:$0x15E18] =	vst v12  }
0x16c: {  	p1 =	sne.s32 s26, s8;
	[tilespmem:$0x15E28] =	vst v6;
	v6 =	vpop (erf)  }
.Ltmp1:
0x16d: {  	[tilespmem:$0x15E38] =	vst v6;
	(pc) =	sbr.rel @p1 .LBB2_1-.Ltmp1, $4  }
0x16e: {  	[hbm4b:s7+s2] =	stream.linear.scatter [tilespmem:s24], [sflag:$0x4], $0x80, $0x38;
	[tilespmem:$0x15E68] =	vst v63  }
0x16f: {  	_ =	swait.ge [sflag:s11], $0x80  }
0x170: {  	[sflag:s11] =	ssyncset.done $0x0  }
0x171: {  	[sflag:s11] =	ssyncadd.s32 $0xFFFFFF80  }
0x172: {  	_ =	sfence.sel $0x180000  }
0x173: {  	[bflag:$0x0] =	sbarrier.arrive $0xFFFF  }
0x174: {  	_ =	strace $0x90000047  }
0x175: {  	[bflag:$0x2] =	sbarrier.arrive $0xFFFF  }
0x176: {  	s0 =	rddreg [dreg:$0x3]  }
0x177: {  	s0 =	sadd.s32 @!p0 $0x100000, s0  }
0x178: {  	[sflag:s0] =	ssyncadd.tile.s32 @!p0 $0x1;
	_ =	shalt  }
.Lfunc_end2:
_tile_overlayer_lowered:
.L_overlay_start_2:
0x179: {  	(tag) =	ssettag $0x2  }
0x17a: {  	s0 =	rddreg [dreg:$0x0];
	s2 =	stileid.u32  }
0x17b: {  	s1 =	rddreg [dreg:$0x1];
	p0 =	sne.s32 s2, $0x0  }
0x17c: {  	s3 =	rddreg [dreg:$0x2];
	[bflag:$0x3] =	sbarrier.arrive $0xFFFF;
	s2 =	simm.s32 @!p0 $0x1C04  }
0x17d: {  	[timem:s3], [sflag:s2] =	dma.local @!p0 [hbm:s0], s1  }
0x17e: {  	s0 =	simm.s32 @!p0 $0x4  }
0x17f: {  	_ =	swait.ge @!p0 [sflag:s0], s1  }
0x180: {  	s1 =	ssub.s32 @!p0 $0x0, s1;
	[sflag:s0] =	ssyncset.done @!p0 $0x0  }
0x181: {  	[sflag:s0] =	ssyncadd.s32 @!p0 s1  }
0x182: {  	[bflag:$0x3] =	sbarrier.arrive $0xFFFF  }
0x183: {  	_ =	shalt  }

</sc_bundles>
